<compile_context>
chip_gen: v7x
topology: tpu7x:2x2x1
jax: 0.10.2.dev20260603
libtpu: 0.0.44.dev20260713+nightly
codegen_flags: <defaults>
</compile_context>

<pallas_src>
import functools

import jax
import jax.numpy as jnp
from jax import lax
from jax.experimental import pallas as pl
from jax.experimental.pallas import tpu as pltpu
from jax.experimental.pallas import tpu_sc as plsc

B, N, CH = 16, 4096, 32
S, K = 512, 32
C1, C2 = 64, 64
RADIUS2 = 0.25
MCOUNT = float(B * S * K)
EPS = 1e-5



def _fps_body(cx_ref, cy_ref, cz_ref, nxyz_ref, idx_ref, dist_ref):
    dist_ref[...] = jnp.full((B, N), 1e10, dtype=jnp.float32)
    iota = lax.broadcasted_iota(jnp.int32, (B, N), 1)
    cxv = cx_ref[...]
    cyv = cy_ref[...]
    czv = cz_ref[...]

    def step(t, lastv):
        mask = iota == lastv
        ccx = jnp.sum(jnp.where(mask, cxv, 0.0), axis=1, keepdims=True)
        ccy = jnp.sum(jnp.where(mask, cyv, 0.0), axis=1, keepdims=True)
        ccz = jnp.sum(jnp.where(mask, czv, 0.0), axis=1, keepdims=True)
        nxyz_ref[pl.ds(t, 1), :, :] = jnp.concatenate(
            [ccx, ccy, ccz], axis=1).reshape(1, B, 3)
        idx_ref[pl.ds(t, 1), :, :] = lastv.reshape(1, B, 1)
        d = (cxv - ccx) ** 2 + (cyv - ccy) ** 2 + (czv - ccz) ** 2
        dd = jnp.minimum(dist_ref[...], d)
        dist_ref[...] = dd
        m = jnp.max(dd, axis=1, keepdims=True)
        cand = jnp.where(dd == m, iota, N)
        return jnp.min(cand, axis=1, keepdims=True).astype(jnp.int32)

    lax.fori_loop(0, S, step, jnp.zeros((B, 1), jnp.int32))


def _run_fps(cx, cy, cz):
    return pl.pallas_call(
        _fps_body,
        out_shape=(jax.ShapeDtypeStruct((S, B, 3), jnp.float32),
                   jax.ShapeDtypeStruct((S, B, 1), jnp.int32)),
        scratch_shapes=[pltpu.VMEM((B, N), jnp.float32)],
    )(cx, cy, cz)



S_TILE = 512


BQ_CHUNK = 512
BIG = 1 << 20


def _bq_body(nx_ref, ct_ref, out_ref):
    cm = nx_ref[0]
    cmb = cm.astype(jnp.bfloat16)
    cc = jnp.sum(cm * cm, axis=1, keepdims=True)
    lanes = lax.broadcasted_iota(jnp.int32, (S_TILE, K), 1)
    citer = lax.broadcasted_iota(jnp.int32, (S_TILE, BQ_CHUNK), 1)

    def do_chunk(c, idxm, count):
        p3 = ct_ref[0, :, pl.ds(c * BQ_CHUNK, BQ_CHUNK)]
        dot = lax.dot_general(cmb, p3.astype(jnp.bfloat16),
                              (((1,), (0,)), ((), ())),
                              preferred_element_type=jnp.float32)
        pp = jnp.sum(p3 * p3, axis=0, keepdims=True)
        sqd = (-2.0 * dot + cc) + pp
        cand0 = jnp.where(sqd <= RADIUS2, citer + c * BQ_CHUNK, BIG)

        def extract(_, carry):
            idxm, count, cand = carry
            first = jnp.min(cand, axis=1, keepdims=True)
            hit = first < BIG
            idxm = jnp.where((lanes == count) & hit, first, idxm)
            count = count + hit.astype(jnp.int32)
            cand = jnp.where(cand == first, BIG, cand)
            return idxm, count, cand

        idxm, count, _ = lax.fori_loop(0, K, extract, (idxm, count, cand0))
        return idxm, count

    def chunk_step(c, carry):
        idxm, count = carry
        return lax.cond(jnp.min(count) < K,
                        lambda a, b: do_chunk(c, a, b),
                        lambda a, b: (a, b), idxm, count)

    idxm0 = jnp.full((S_TILE, K), N, jnp.int32)
    count0 = jnp.zeros((S_TILE, 1), jnp.int32)
    idxm, _ = lax.fori_loop(0, N // BQ_CHUNK, chunk_step, (idxm0, count0))
    idxm = jnp.where(idxm == N, idxm[:, 0:1], idxm)
    out_ref[0] = idxm


def _run_ballquery(new_xyz, ct):
    return pl.pallas_call(
        _bq_body,
        grid=(B, S // S_TILE),
        in_specs=[
            pl.BlockSpec((1, S_TILE, 3), lambda b, s: (b, s, 0)),
            pl.BlockSpec((1, 3, N), lambda b, s: (b, 0, 0)),
        ],
        out_specs=pl.BlockSpec((1, S_TILE, K), lambda b, s: (b, s, 0)),
        out_shape=jax.ShapeDtypeStruct((B, S, K), jnp.int32),
    )(new_xyz, ct)



TOTAL_ROWS = B * S * K + B * S
GCHUNK = 128


def _sc_gather(gidx2d, table):
    info = plsc.get_sparse_core_info()
    nw = info.num_cores * info.num_subcores
    rows_per_w = TOTAL_ROWS // nw
    chunks = rows_per_w // GCHUNK
    idx_rows = rows_per_w // GCHUNK
    mesh = plsc.VectorSubcoreMesh(core_axis_name="c", subcore_axis_name="s")

    @functools.partial(
        pl.kernel, mesh=mesh,
        compiler_params=pltpu.CompilerParams(use_tc_tiling_on_sc=False),
        out_type=jax.ShapeDtypeStruct((TOTAL_ROWS, CH), jnp.float32),
        scratch_types=[
            pltpu.VMEM((idx_rows, GCHUNK), jnp.int32),
            pltpu.VMEM((GCHUNK, CH), jnp.float32),
            pltpu.SemaphoreType.DMA,
        ],
    )
    def gk(idx_hbm, table_hbm, out_hbm, idx_v, rows_v, sem):
        wid = lax.axis_index("s") * info.num_cores + lax.axis_index("c")
        pltpu.sync_copy(idx_hbm.at[pl.ds(wid * idx_rows, idx_rows)], idx_v)
        base = wid * rows_per_w

        def chunk(c, carry):
            pltpu.async_copy(table_hbm.at[idx_v.at[c]], rows_v, sem).wait()
            pltpu.sync_copy(rows_v, out_hbm.at[pl.ds(base + c * GCHUNK, GCHUNK)])
            return carry

        lax.fori_loop(0, chunks, chunk, 0)

    return gk(gidx2d, table)



G_TILE = 64
GROWS = G_TILE * K
N_TILES = (B * S) // G_TILE


def _build_f(g_ref, np_ref):
    g3 = g_ref[...].reshape(G_TILE, K, CH)
    npb = np_ref[...]
    np3 = jnp.broadcast_to(npb[:, None, :], (G_TILE, K, CH))
    f3 = jnp.concatenate([g3 - np3, np3], axis=2)
    return f3.reshape(GROWS, 2 * CH)


_DN_RC = (((0,), (0,)), ((), ()))
_DN_CC = (((1,), (1,)), ((), ()))


def _eye64():
    r = lax.broadcasted_iota(jnp.int32, (C1, C1), 0)
    c = lax.broadcasted_iota(jnp.int32, (C1, C1), 1)
    return (r == c).astype(jnp.float32)


def _bn_scale_shift(W, m_mat, s_vec, gw, gb):
    mean_y = lax.dot_general(s_vec / MCOUNT, W, _DN_CC,
                             preferred_element_type=jnp.float32)
    A = lax.dot_general(W, m_mat, (((1,), (0,)), ((), ())),
                        preferred_element_type=jnp.float32)
    Km = lax.dot_general(A, W, _DN_CC, preferred_element_type=jnp.float32)
    e2 = jnp.sum(Km * _eye64(), axis=0, keepdims=True) / MCOUNT
    var = e2 - mean_y * mean_y
    scale = gw * lax.rsqrt(var + EPS)
    shift = gb - mean_y * scale
    return scale, shift


def _passA_body(g_ref, np_ref, m1_ref, s1_ref):
    f = _build_f(g_ref, np_ref)
    m1 = lax.dot_general(f, f, _DN_RC, preferred_element_type=jnp.float32)
    s1 = jnp.sum(f, axis=0, keepdims=True)

    @pl.when(pl.program_id(0) == 0)
    def _():
        m1_ref[...] = jnp.zeros_like(m1_ref)
        s1_ref[...] = jnp.zeros_like(s1_ref)

    m1_ref[...] += m1
    s1_ref[...] += s1


def _passB_body(g_ref, np_ref, w1_ref, m1_ref, s1_ref, g1w_ref, g1b_ref,
                m2_ref, s2_ref):
    f = _build_f(g_ref, np_ref)
    W1 = w1_ref[...]
    scale1, shift1 = _bn_scale_shift(W1, m1_ref[...], s1_ref[...],
                                     g1w_ref[...], g1b_ref[...])
    y1 = lax.dot_general(f, W1, _DN_CC, preferred_element_type=jnp.float32)
    z1 = jnp.maximum(y1 * scale1 + shift1, 0.0)
    m2 = lax.dot_general(z1, z1, _DN_RC, preferred_element_type=jnp.float32)
    s2 = jnp.sum(z1, axis=0, keepdims=True)

    @pl.when(pl.program_id(0) == 0)
    def _():
        m2_ref[...] = jnp.zeros_like(m2_ref)
        s2_ref[...] = jnp.zeros_like(s2_ref)

    m2_ref[...] += m2
    s2_ref[...] += s2


def _passC_body(g_ref, np_ref, w1_ref, m1_ref, s1_ref, g1w_ref, g1b_ref,
                w2_ref, m2_ref, s2_ref, g2w_ref, g2b_ref, out_ref):
    f = _build_f(g_ref, np_ref)
    W1 = w1_ref[...]
    scale1, shift1 = _bn_scale_shift(W1, m1_ref[...], s1_ref[...],
                                     g1w_ref[...], g1b_ref[...])
    y1 = lax.dot_general(f, W1, _DN_CC, preferred_element_type=jnp.float32)
    z1 = jnp.maximum(y1 * scale1 + shift1, 0.0)
    W2 = w2_ref[...]
    scale2, shift2 = _bn_scale_shift(W2, m2_ref[...], s2_ref[...],
                                     g2w_ref[...], g2b_ref[...])
    y2 = lax.dot_general(z1, W2, _DN_CC, preferred_element_type=jnp.float32)
    z2 = jnp.maximum(y2 * scale2 + shift2, 0.0)
    out_ref[...] = jnp.max(z2.reshape(G_TILE, K, C2), axis=1)


_SMALL = lambda shp: pl.BlockSpec(shp, lambda i: tuple(0 for _ in shp))


def _run_mlp(G, NP2, W1, W2, g1w, g1b, g2w, g2b):
    g_spec = pl.BlockSpec((GROWS, CH), lambda i: (i, 0))
    np_spec = pl.BlockSpec((G_TILE, CH), lambda i: (i, 0))
    acc_specs = (pl.BlockSpec((C1, C1), lambda i: (0, 0)),
                 pl.BlockSpec((1, C1), lambda i: (0, 0)))
    acc_shapes = (jax.ShapeDtypeStruct((C1, C1), jnp.float32),
                  jax.ShapeDtypeStruct((1, C1), jnp.float32))

    M1, s1 = pl.pallas_call(
        _passA_body, grid=(N_TILES,),
        in_specs=[g_spec, np_spec],
        out_specs=acc_specs, out_shape=acc_shapes,
    )(G, NP2)

    M2, s2 = pl.pallas_call(
        _passB_body, grid=(N_TILES,),
        in_specs=[g_spec, np_spec, _SMALL((C1, C1)), _SMALL((C1, C1)),
                  _SMALL((1, C1)), _SMALL((1, C1)), _SMALL((1, C1))],
        out_specs=acc_specs, out_shape=acc_shapes,
    )(G, NP2, W1, M1, s1, g1w, g1b)

    out2d = pl.pallas_call(
        _passC_body, grid=(N_TILES,),
        in_specs=[g_spec, np_spec, _SMALL((C1, C1)), _SMALL((C1, C1)),
                  _SMALL((1, C1)), _SMALL((1, C1)), _SMALL((1, C1)),
                  _SMALL((C2, C2)), _SMALL((C2, C2)), _SMALL((1, C2)),
                  _SMALL((1, C2)), _SMALL((1, C2))],
        out_specs=pl.BlockSpec((G_TILE, C2), lambda i: (i, 0)),
        out_shape=jax.ShapeDtypeStruct((B * S, C2), jnp.float32),
    )(G, NP2, W1, M1, s1, g1w, g1b, W2, M2, s2, g2w, g2b)
    return out2d



def kernel(x, coords, w1, w2, bn1_w, bn1_b, bn2_w, bn2_b):
    cx = coords[:, :, 0]
    cy = coords[:, :, 1]
    cz = coords[:, :, 2]
    ct = jnp.transpose(coords, (0, 2, 1))

    nxyz_tm, fidx_tm = _run_fps(cx, cy, cz)
    new_xyz = jnp.transpose(nxyz_tm, (1, 0, 2))
    fps_idx = jnp.transpose(fidx_tm[:, :, 0], (1, 0))
    idx = _run_ballquery(new_xyz, ct)

    boff = (jnp.arange(B, dtype=jnp.int32) * N)
    gidx = (idx + boff[:, None, None]).reshape(-1)
    cgidx = (fps_idx + boff[:, None]).reshape(-1)
    gidx2d = jnp.concatenate([gidx, cgidx]).reshape(TOTAL_ROWS // GCHUNK, GCHUNK)
    table = jnp.transpose(x, (0, 2, 1)).reshape(B * N, CH)
    Gall = _sc_gather(gidx2d, table)
    G = Gall[:B * S * K]
    NP2 = Gall[B * S * K:]

    out2d = _run_mlp(G, NP2, w1[:, :, 0], w2[:, :, 0],
                     bn1_w.reshape(1, C1), bn1_b.reshape(1, C1),
                     bn2_w.reshape(1, C2), bn2_b.reshape(1, C2))

    y = jnp.transpose(out2d.reshape(B, S, C2), (0, 2, 1))
    return (new_xyz, y)

# --- scband reference (transcript-rebuilt; emitter-appended) ---
"""Pipeline reference for scband-sg-7533372638046 (READ-ONLY COPY).

The authoritative reference and input builder live on the scoring server;
editing this copy changes nothing except your own understanding.
"""

import jax, jax.numpy as jnp
import numpy as np

B, N, C_IN_HALF = 16, 4096, 32
S_POINTS, RADIUS, NSAMPLE = 512, 0.5, 32
IN_CH, OUT_CH = 64, 64


def index_points(points, idx):
    b = points.shape[0]
    bidx = jnp.arange(b).reshape((b,) + (1,) * (idx.ndim - 1))
    return points[bidx, idx]


def square_distance(src, dst):
    d = -2.0 * jnp.einsum('bmc,bnc->bmn', src, dst)
    d = d + jnp.sum(src ** 2, axis=-1)[:, :, None] + jnp.sum(dst ** 2, axis=-1)[:, None, :]
    return d


def farthest_point_sample(xyz, npoint):
    b, n, _ = xyz.shape
    init_dist = jnp.full((b, n), 1e10, dtype=xyz.dtype)
    init_last = jnp.zeros((b,), dtype=jnp.int32)

    def step(carry, _):
        dist, last = carry
        centroid = xyz[jnp.arange(b), last]
        d = jnp.sum((xyz - centroid[:, None, :]) ** 2, axis=-1)
        dist = jnp.minimum(dist, d)
        nxt = jnp.argmax(dist, axis=-1).astype(jnp.int32)
        return (dist, nxt), last

    _, idxs = jax.lax.scan(step, (init_dist, init_last), None, length=npoint)
    return jnp.transpose(idxs, (1, 0))


def query_ball_point(radius, nsample, xyz, new_xyz):
    b, n, _ = xyz.shape
    s = new_xyz.shape[1]
    sqd = square_distance(new_xyz, xyz)
    idx = jnp.broadcast_to(jnp.arange(n, dtype=jnp.int32), (b, s, n))
    idx = jnp.where(sqd > radius * radius, n, idx)
    idx = jnp.sort(idx, axis=-1)[:, :, :nsample]
    first = idx[:, :, :1]
    idx = jnp.where(idx == n, jnp.broadcast_to(first, idx.shape), idx)
    return idx


def sample_and_ball_group(s, radius, n, coords, features):
    fps_idx = farthest_point_sample(coords, s)
    new_xyz = index_points(coords, fps_idx)
    new_points = index_points(features, fps_idx)
    idx = query_ball_point(radius, n, coords, new_xyz)
    grouped = index_points(features, idx)
    grouped_norm = grouped - new_points[:, :, None, :]
    center_rep = jnp.broadcast_to(new_points[:, :, None, :], grouped.shape)
    new_feature = jnp.concatenate([grouped_norm, center_rep], axis=-1)
    return new_xyz, new_feature


def batchnorm1d(y, w, b_, eps=1e-5):
    mean = jnp.mean(y, axis=(0, 2), keepdims=True)
    var = jnp.var(y, axis=(0, 2), keepdims=True)
    yn = (y - mean) / jnp.sqrt(var + eps)
    return yn * w[None, :, None] + b_[None, :, None]


def setup_inputs(seed: int = 0) -> dict:
    key = jax.random.key(seed)
    k1, k2, k3, k4 = jax.random.split(key, 4)
    x = jax.random.normal(k1, (B, C_IN_HALF, N), dtype=jnp.float32)
    coords = jax.random.uniform(k2, (B, N, 3), dtype=jnp.float32)
    w1 = jax.random.normal(k3, (OUT_CH, IN_CH, 1), dtype=jnp.float32) * (1.0 / np.sqrt(IN_CH))
    w2 = jax.random.normal(k4, (OUT_CH, OUT_CH, 1), dtype=jnp.float32) * (1.0 / np.sqrt(OUT_CH))
    bn1_w = jnp.ones((OUT_CH,), jnp.float32)
    bn1_b = jnp.zeros((OUT_CH,), jnp.float32)
    bn2_w = jnp.ones((OUT_CH,), jnp.float32)
    bn2_b = jnp.zeros((OUT_CH,), jnp.float32)
    return {"x": x, "coords": coords, "w1": w1, "w2": w2, "bn1_w": bn1_w, "bn1_b": bn1_b, "bn2_w": bn2_w, "bn2_b": bn2_b}


def reference(x, coords, w1, w2, bn1_w, bn1_b, bn2_w, bn2_b):
    feats = jnp.transpose(x, (0, 2, 1))
    new_xyz, new_feature = sample_and_ball_group(S_POINTS, RADIUS, NSAMPLE, coords, feats)
    b, s, k, d = new_feature.shape
    nf = jnp.transpose(new_feature, (0, 1, 3, 2)).reshape(-1, d, k)
    y = jnp.einsum('oi,bik->bok', w1[:, :, 0], nf)
    y = jax.nn.relu(batchnorm1d(y, bn1_w, bn1_b))
    y = jnp.einsum('oi,bik->bok', w2[:, :, 0], y)
    y = jax.nn.relu(batchnorm1d(y, bn2_w, bn2_b))
    y = jnp.max(y, axis=-1)
    y = jnp.transpose(y.reshape(b, s, -1), (0, 2, 1))
    return (new_xyz, y)

if __name__ == "__main__":
    import jax
    _d = setup_inputs()
    print(jax.jit(kernel)(*tuple(_d.values())))

</pallas_src>

<mosaic_0001>
#map = affine_map<(d0, d1) -> (0, 0)>
module attributes {stable_mosaic.version = 14 : i64} {
  func.func @gk(%arg0: i32, %arg1: i32, %arg2: memref<2112x128xi32, #tpu.memory_space<hbm>>, %arg3: memref<65536x32xf32, #tpu.memory_space<hbm>>, %arg4: memref<270336x32xf32, #tpu.memory_space<hbm>>, %arg5: memref<66x128xi32, #tpu.memory_space<vmem>>, %arg6: memref<128x32xf32, #tpu.memory_space<vmem>>, %arg7: memref<!tpu.dma_semaphore, #tpu.memory_space<semaphore_mem>>) attributes {dimension_semantics = [#tpu.dimension_semantics<core_parallel>, #tpu.dimension_semantics<subcore_parallel>], iteration_bounds = array<i64: 2, 16>, scalar_prefetch = 0 : i64, scratch_operands = 3 : i64, tpu.core_type = #tpu.core_type<sc_vector_subcore>, window_params = [{transform_indices = #map}, {transform_indices = #map}, {transform_indices = #map}]} {
    %mul3A = arith.constant 2 : i32
    %mul3A_0 = arith.muli %arg1, %mul3A : i32
    %add3A = arith.addi %mul3A_0, %arg0 : i32
    %mul3A_1 = arith.constant 66 : i32
    %mul3A_2 = arith.muli %add3A, %mul3A_1 : i32
    "tpu.region"() ({
      %run_scoped3A = tpu.sem_alloc : memref<!tpu.dma_semaphore, #tpu.memory_space<semaphore_mem>>
      %dma_start3A = arith.constant 0 : i32
      %dma_start3A_10 = tpu.memref_slice %arg2[%mul3A_2, %dma_start3A] : memref<2112x128xi32, #tpu.memory_space<hbm>> -> memref<66x128xi32, #tpu.memory_space<hbm>>
      %dma_start3A_11 = arith.constant 0 : i32
      %dma_start3A_12 = tpu.memref_slice %arg2[%mul3A_2, %dma_start3A_11] : memref<2112x128xi32, #tpu.memory_space<hbm>> -> memref<66x128xi32, #tpu.memory_space<hbm>>
      tpu.enqueue_dma source(%dma_start3A_12 : memref<66x128xi32, #tpu.memory_space<hbm>>) target(%arg5 : memref<66x128xi32, #tpu.memory_space<vmem>>) target_semaphore(%run_scoped3A : memref<!tpu.dma_semaphore, #tpu.memory_space<semaphore_mem>>)
      %dma_wait3A = arith.constant 0 : i32
      %dma_wait3A_13 = tpu.memref_slice %arg2[%mul3A_2, %dma_wait3A] : memref<2112x128xi32, #tpu.memory_space<hbm>> -> memref<66x128xi32, #tpu.memory_space<hbm>>
      %dma_wait3A_14 = arith.constant 0 : i32
      %dma_wait3A_15 = tpu.memref_slice %arg2[%mul3A_2, %dma_wait3A_14] : memref<2112x128xi32, #tpu.memory_space<hbm>> -> memref<66x128xi32, #tpu.memory_space<hbm>>
      tpu.wait_dma2 semaphore(%run_scoped3A : memref<!tpu.dma_semaphore, #tpu.memory_space<semaphore_mem>>) src(%dma_wait3A_15 : memref<66x128xi32, #tpu.memory_space<hbm>>) dst(%arg5 : memref<66x128xi32, #tpu.memory_space<vmem>>)
      tpu.yield
    }) : () -> ()
    %mul3A_3 = arith.constant 8448 : i32
    %mul3A_4 = arith.muli %add3A, %mul3A_3 : i32
    %scan3A = arith.constant 0 : i32
    %scan3A_5 = arith.constant 0 : i32
    %scan3A_6 = arith.constant 66 : i32
    %scan3A_7 = arith.addi %scan3A_5, %scan3A_6 : i32
    %scan3A_8 = arith.constant 1 : i32
    scf.for %scan3A_10 = %scan3A_5 to %scan3A_7 step %scan3A_8  : i32 {
      %dma_start3A = arith.constant 0 : i32
      %dma_start3A_11 = tpu.memref_slice %arg5[%scan3A_10, %dma_start3A] : memref<66x128xi32, #tpu.memory_space<vmem>> -> memref<1x128xi32, #tpu.memory_space<vmem>>
      %dma_start3A_12 = tpu.memref_squeeze %dma_start3A_11 : memref<1x128xi32, #tpu.memory_space<vmem>> -> memref<128xi32, #tpu.memory_space<vmem>>
      %dma_start3A_13 = arith.constant 0 : i32
      %dma_start3A_14 = arith.constant 0 : i32
      %dma_start3A_15 = tpu.memref_slice %arg3[%dma_start3A_13, %dma_start3A_14] : memref<65536x32xf32, #tpu.memory_space<hbm>> -> memref<65536x32xf32, #tpu.memory_space<hbm>>
      tpu.enqueue_indirect_dma source(%dma_start3A_15 : memref<65536x32xf32, #tpu.memory_space<hbm>>) target(%arg6 : memref<128x32xf32, #tpu.memory_space<vmem>>) offsets(%dma_start3A_12 : memref<128xi32, #tpu.memory_space<vmem>>) semaphore(%arg7 : memref<!tpu.dma_semaphore, #tpu.memory_space<semaphore_mem>>)
      %dma_wait3A = arith.constant 0 : i32
      %dma_wait3A_16 = tpu.memref_slice %arg5[%scan3A_10, %dma_wait3A] : memref<66x128xi32, #tpu.memory_space<vmem>> -> memref<1x128xi32, #tpu.memory_space<vmem>>
      %dma_wait3A_17 = tpu.memref_squeeze %dma_wait3A_16 : memref<1x128xi32, #tpu.memory_space<vmem>> -> memref<128xi32, #tpu.memory_space<vmem>>
      %dma_wait3A_18 = arith.constant 0 : i32
      %dma_wait3A_19 = arith.constant 0 : i32
      %dma_wait3A_20 = tpu.memref_slice %arg3[%dma_wait3A_18, %dma_wait3A_19] : memref<65536x32xf32, #tpu.memory_space<hbm>> -> memref<65536x32xf32, #tpu.memory_space<hbm>>
      tpu.wait_indirect_dma semaphore(%arg7 : memref<!tpu.dma_semaphore, #tpu.memory_space<semaphore_mem>>) src(%dma_wait3A_20 : memref<65536x32xf32, #tpu.memory_space<hbm>>) dst(%arg6 : memref<128x32xf32, #tpu.memory_space<vmem>>)
      %mul3A_21 = arith.constant 128 : i32
      %mul3A_22 = arith.muli %scan3A_10, %mul3A_21 : i32
      %add3A_23 = arith.addi %mul3A_4, %mul3A_22 : i32
      "tpu.region"() ({
        %run_scoped3A = tpu.sem_alloc : memref<!tpu.dma_semaphore, #tpu.memory_space<semaphore_mem>>
        %dma_start3A_24 = arith.constant 0 : i32
        %dma_start3A_25 = tpu.memref_slice %arg4[%add3A_23, %dma_start3A_24] : memref<270336x32xf32, #tpu.memory_space<hbm>> -> memref<128x32xf32, #tpu.memory_space<hbm>>
        %dma_start3A_26 = arith.constant 0 : i32
        %dma_start3A_27 = tpu.memref_slice %arg4[%add3A_23, %dma_start3A_26] : memref<270336x32xf32, #tpu.memory_space<hbm>> -> memref<128x32xf32, #tpu.memory_space<hbm>>
        tpu.enqueue_dma source(%arg6 : memref<128x32xf32, #tpu.memory_space<vmem>>) target(%dma_start3A_27 : memref<128x32xf32, #tpu.memory_space<hbm>>) target_semaphore(%run_scoped3A : memref<!tpu.dma_semaphore, #tpu.memory_space<semaphore_mem>>)
        %dma_wait3A_28 = arith.constant 0 : i32
        %dma_wait3A_29 = tpu.memref_slice %arg4[%add3A_23, %dma_wait3A_28] : memref<270336x32xf32, #tpu.memory_space<hbm>> -> memref<128x32xf32, #tpu.memory_space<hbm>>
        %dma_wait3A_30 = arith.constant 0 : i32
        %dma_wait3A_31 = tpu.memref_slice %arg4[%add3A_23, %dma_wait3A_30] : memref<270336x32xf32, #tpu.memory_space<hbm>> -> memref<128x32xf32, #tpu.memory_space<hbm>>
        tpu.wait_dma2 semaphore(%run_scoped3A : memref<!tpu.dma_semaphore, #tpu.memory_space<semaphore_mem>>) src(%arg6 : memref<128x32xf32, #tpu.memory_space<vmem>>) dst(%dma_wait3A_31 : memref<128x32xf32, #tpu.memory_space<hbm>>)
        tpu.yield
      }) : () -> ()
    }
    %scan3A_9 = arith.constant 66 : i32
    return
  }
}

module attributes {stable_mosaic.version = 14 : i64} {
  func.func @_fps_body(%arg0: memref<16x4096xf32, #tpu.memory_space<vmem>>, %arg1: memref<16x4096xf32, #tpu.memory_space<vmem>>, %arg2: memref<16x4096xf32, #tpu.memory_space<vmem>>, %arg3: memref<512x16x3xf32, #tpu.memory_space<vmem>>, %arg4: memref<512x16x1xi32, #tpu.memory_space<vmem>>, %arg5: memref<16x4096xf32, #tpu.memory_space<vmem>>) attributes {dimension_semantics = [], scalar_prefetch = 0 : i64, scratch_operands = 1 : i64, tpu.core_type = #tpu.core_type<tc>} {
    %broadcast_in_dim3A = arith.constant 1.000000e+10 : f32
    %broadcast_in_dim3A_0 = vector.broadcast %broadcast_in_dim3A : f32 to vector<16x4096xf32>
    %swap3A = arith.constant 0 : index
    %swap3A_1 = arith.constant 0 : index
    %swap3A_2 = vector.load %arg5[%swap3A, %swap3A_1] : memref<16x4096xf32, #tpu.memory_space<vmem>>, vector<16x4096xf32>
    tpu.vector_store %arg5[%swap3A, %swap3A_1], %broadcast_in_dim3A_0 {strides = array<i32>} : memref<16x4096xf32, #tpu.memory_space<vmem>>, vector<16x4096xf32>,
    %iota3A = tpu.iota {dimensions = array<i32: 1>} : vector<16x4096xi32>
    %get3A = arith.constant 0 : index
    %get3A_3 = arith.constant 0 : index
    %get3A_4 = vector.load %arg0[%get3A, %get3A_3] : memref<16x4096xf32, #tpu.memory_space<vmem>>, vector<16x4096xf32>
    %get3A_5 = arith.constant 0 : index
    %get3A_6 = arith.constant 0 : index
    %get3A_7 = vector.load %arg1[%get3A_5, %get3A_6] : memref<16x4096xf32, #tpu.memory_space<vmem>>, vector<16x4096xf32>
    %get3A_8 = arith.constant 0 : index
    %get3A_9 = arith.constant 0 : index
    %get3A_10 = vector.load %arg2[%get3A_8, %get3A_9] : memref<16x4096xf32, #tpu.memory_space<vmem>>, vector<16x4096xf32>
    %broadcast_in_dim3A_11 = arith.constant 0 : i32
    %broadcast_in_dim3A_12 = vector.broadcast %broadcast_in_dim3A_11 : i32 to vector<16x1xi32>
    %scan3A = arith.constant 0 : i32
    %scan3A_13 = arith.constant 512 : i32
    %scan3A_14 = arith.addi %scan3A, %scan3A_13 : i32
    %scan3A_15 = arith.constant 1 : i32
    %scan3A_16 = scf.for %scan3A_18 = %scan3A to %scan3A_14 step %scan3A_15 iter_args(%scan3A_19 = %broadcast_in_dim3A_12) -> (vector<16x1xi32>)  : i32 {
      %eq3A = vector.broadcast %scan3A_19 : vector<16x1xi32> to vector<16x4096xi32>
      %eq3A_20 = arith.cmpi eq, %iota3A, %eq3A : vector<16x4096xi32>
      %jit3A = arith.constant 0.000000e+00 : f32
      %broadcast_in_dim3A_21 = vector.broadcast %jit3A : f32 to vector<16x4096xf32>
      %select_n3A = arith.select %eq3A_20, %get3A_4, %broadcast_in_dim3A_21 : vector<16x4096xi1>, vector<16x4096xf32>
      %reduce_sum3A = arith.constant dense<0.000000e+00> : vector<16xf32>
      %reduce_sum3A_22 = vector.multi_reduction <add>, %select_n3A, %reduce_sum3A [1] : vector<16x4096xf32> to vector<16xf32>
      %broadcast_in_dim3A_23 = vector.shape_cast %reduce_sum3A_22 : vector<16xf32> to vector<16x1xf32>
      %jit3A_24 = arith.constant 0.000000e+00 : f32
      %broadcast_in_dim3A_25 = vector.broadcast %jit3A_24 : f32 to vector<16x4096xf32>
      %select_n3A_26 = arith.select %eq3A_20, %get3A_7, %broadcast_in_dim3A_25 : vector<16x4096xi1>, vector<16x4096xf32>
      %reduce_sum3A_27 = arith.constant dense<0.000000e+00> : vector<16xf32>
      %reduce_sum3A_28 = vector.multi_reduction <add>, %select_n3A_26, %reduce_sum3A_27 [1] : vector<16x4096xf32> to vector<16xf32>
      %broadcast_in_dim3A_29 = vector.shape_cast %reduce_sum3A_28 : vector<16xf32> to vector<16x1xf32>
      %jit3A_30 = arith.constant 0.000000e+00 : f32
      %broadcast_in_dim3A_31 = vector.broadcast %jit3A_30 : f32 to vector<16x4096xf32>
      %select_n3A_32 = arith.select %eq3A_20, %get3A_10, %broadcast_in_dim3A_31 : vector<16x4096xi1>, vector<16x4096xf32>
      %reduce_sum3A_33 = arith.constant dense<0.000000e+00> : vector<16xf32>
      %reduce_sum3A_34 = vector.multi_reduction <add>, %select_n3A_32, %reduce_sum3A_33 [1] : vector<16x4096xf32> to vector<16xf32>
      %broadcast_in_dim3A_35 = vector.shape_cast %reduce_sum3A_34 : vector<16xf32> to vector<16x1xf32>
      %concatenate3A = tpu.concatenate %broadcast_in_dim3A_23, %broadcast_in_dim3A_29, %broadcast_in_dim3A_35 in 1 : vector<16x1xf32>, vector<16x1xf32>, vector<16x1xf32> -> vector<16x3xf32>
      %reshape3A = vector.shape_cast %concatenate3A : vector<16x3xf32> to vector<1x16x3xf32>
      %swap3A_36 = arith.index_cast %scan3A_18 : i32 to index
      %swap3A_37 = arith.constant 0 : index
      %swap3A_38 = arith.constant 0 : index
      %swap3A_39 = vector.load %arg3[%swap3A_36, %swap3A_37, %swap3A_38] : memref<512x16x3xf32, #tpu.memory_space<vmem>>, vector<1x16x3xf32>
      tpu.vector_store %arg3[%swap3A_36, %swap3A_37, %swap3A_38], %reshape3A {strides = array<i32>} : memref<512x16x3xf32, #tpu.memory_space<vmem>>, vector<1x16x3xf32>,
      %reshape3A_40 = vector.shape_cast %scan3A_19 : vector<16x1xi32> to vector<1x16x1xi32>
      %swap3A_41 = arith.index_cast %scan3A_18 : i32 to index
      %swap3A_42 = arith.constant 0 : index
      %swap3A_43 = arith.constant 0 : index
      %swap3A_44 = vector.load %arg4[%swap3A_41, %swap3A_42, %swap3A_43] : memref<512x16x1xi32, #tpu.memory_space<vmem>>, vector<1x16x1xi32>
      tpu.vector_store %arg4[%swap3A_41, %swap3A_42, %swap3A_43], %reshape3A_40 {strides = array<i32>} : memref<512x16x1xi32, #tpu.memory_space<vmem>>, vector<1x16x1xi32>,
      %sub3A = vector.broadcast %broadcast_in_dim3A_23 : vector<16x1xf32> to vector<16x4096xf32>
      %sub3A_45 = arith.subf %get3A_4, %sub3A : vector<16x4096xf32>
      %integer_pow3A = arith.mulf %sub3A_45, %sub3A_45 : vector<16x4096xf32>
      %sub3A_46 = vector.broadcast %broadcast_in_dim3A_29 : vector<16x1xf32> to vector<16x4096xf32>
      %sub3A_47 = arith.subf %get3A_7, %sub3A_46 : vector<16x4096xf32>
      %integer_pow3A_48 = arith.mulf %sub3A_47, %sub3A_47 : vector<16x4096xf32>
      %add3A = arith.addf %integer_pow3A, %integer_pow3A_48 : vector<16x4096xf32>
      %sub3A_49 = vector.broadcast %broadcast_in_dim3A_35 : vector<16x1xf32> to vector<16x4096xf32>
      %sub3A_50 = arith.subf %get3A_10, %sub3A_49 : vector<16x4096xf32>
      %integer_pow3A_51 = arith.mulf %sub3A_50, %sub3A_50 : vector<16x4096xf32>
      %add3A_52 = arith.addf %add3A, %integer_pow3A_51 : vector<16x4096xf32>
      %get3A_53 = arith.constant 0 : index
      %get3A_54 = arith.constant 0 : index
      %get3A_55 = vector.load %arg5[%get3A_53, %get3A_54] : memref<16x4096xf32, #tpu.memory_space<vmem>>, vector<16x4096xf32>
      %min3A = arith.minimumf %get3A_55, %add3A_52 : vector<16x4096xf32>
      %swap3A_56 = arith.constant 0 : index
      %swap3A_57 = arith.constant 0 : index
      %swap3A_58 = vector.load %arg5[%swap3A_56, %swap3A_57] : memref<16x4096xf32, #tpu.memory_space<vmem>>, vector<16x4096xf32>
      tpu.vector_store %arg5[%swap3A_56, %swap3A_57], %min3A {strides = array<i32>} : memref<16x4096xf32, #tpu.memory_space<vmem>>, vector<16x4096xf32>,
      %reduce_max3A = arith.constant dense<0xFF800000> : vector<16xf32>
      %reduce_max3A_59 = vector.multi_reduction <maximumf>, %min3A, %reduce_max3A [1] : vector<16x4096xf32> to vector<16xf32>
      %broadcast_in_dim3A_60 = vector.shape_cast %reduce_max3A_59 : vector<16xf32> to vector<16x1xf32>
      %eq3A_61 = vector.broadcast %broadcast_in_dim3A_60 : vector<16x1xf32> to vector<16x4096xf32>
      %eq3A_62 = arith.cmpf oeq, %min3A, %eq3A_61 : vector<16x4096xf32>
      %jit3A_63 = arith.constant 4096 : i32
      %broadcast_in_dim3A_64 = vector.broadcast %jit3A_63 : i32 to vector<16x4096xi32>
      %select_n3A_65 = arith.select %eq3A_62, %iota3A, %broadcast_in_dim3A_64 : vector<16x4096xi1>, vector<16x4096xi32>
      %reduce_min3A = arith.constant dense<2147483647> : vector<16xi32>
      %reduce_min3A_66 = vector.multi_reduction <minsi>, %select_n3A_65, %reduce_min3A [1] : vector<16x4096xi32> to vector<16xi32>
      %broadcast_in_dim3A_67 = vector.shape_cast %reduce_min3A_66 : vector<16xi32> to vector<16x1xi32>
      scf.yield %broadcast_in_dim3A_67 : vector<16x1xi32>
    }
    %scan3A_17 = arith.constant 512 : i32
    return
  }
}

module attributes {stable_mosaic.version = 14 : i64} {
  func.func @_bq_body(%arg0: i32, %arg1: i32, %arg2: memref<1x512x3xf32, #tpu.memory_space<vmem>>, %arg3: memref<1x3x4096xf32, #tpu.memory_space<vmem>>, %arg4: memref<1x512x32xi32, #tpu.memory_space<vmem>>) attributes {dimension_semantics = [#tpu.dimension_semantics<arbitrary>, #tpu.dimension_semantics<arbitrary>], iteration_bounds = array<i64: 16, 1>, scalar_prefetch = 0 : i64, scratch_operands = 0 : i64, tpu.core_type = #tpu.core_type<tc>, window_params = [{transform_indices = @transform_0, window_bounds = array<i64: 1, 512, 3>}, {transform_indices = @transform_1, window_bounds = array<i64: 1, 3, 4096>}, {transform_indices = @transform_2, window_bounds = array<i64: 1, 512, 32>}]} {
    %get3A = arith.constant 0 : index
    %get3A_0 = arith.constant 0 : index
    %get3A_1 = arith.constant 0 : index
    %get3A_2 = vector.load %arg2[%get3A, %get3A_0, %get3A_1] : memref<1x512x3xf32, #tpu.memory_space<vmem>>, vector<1x512x3xf32>
    %get3A_3 = vector.shape_cast %get3A_2 : vector<1x512x3xf32> to vector<512x3xf32>
    %convert_element_type3A = arith.truncf %get3A_3 : vector<512x3xf32> to vector<512x3xbf16>
    %mul3A = arith.mulf %get3A_3, %get3A_3 : vector<512x3xf32>
    %reduce_sum3A = arith.constant dense<0.000000e+00> : vector<512xf32>
    %reduce_sum3A_4 = vector.multi_reduction <add>, %mul3A, %reduce_sum3A [1] : vector<512x3xf32> to vector<512xf32>
    %broadcast_in_dim3A = vector.shape_cast %reduce_sum3A_4 : vector<512xf32> to vector<512x1xf32>
    %iota3A = tpu.iota {dimensions = array<i32: 1>} : vector<512x32xi32>
    %iota3A_5 = tpu.iota {dimensions = array<i32: 1>} : vector<512x512xi32>
    %broadcast_in_dim3A_6 = arith.constant 4096 : i32
    %broadcast_in_dim3A_7 = vector.broadcast %broadcast_in_dim3A_6 : i32 to vector<512x32xi32>
    %broadcast_in_dim3A_8 = arith.constant 0 : i32
    %broadcast_in_dim3A_9 = vector.broadcast %broadcast_in_dim3A_8 : i32 to vector<512x1xi32>
    %scan3A = arith.constant 0 : i32
    %scan3A_10 = arith.constant 8 : i32
    %scan3A_11 = arith.addi %scan3A, %scan3A_10 : i32
    %scan3A_12 = arith.constant 1 : i32
    %scan3A_13:2 = scf.for %scan3A_24 = %scan3A to %scan3A_11 step %scan3A_12 iter_args(%scan3A_25 = %broadcast_in_dim3A_7, %scan3A_26 = %broadcast_in_dim3A_9) -> (vector<512x32xi32>, vector<512x1xi32>)  : i32 {
      %reduce_min3A = vector.shape_cast %scan3A_26 : vector<512x1xi32> to vector<1x512x1xi32>
      %reduce_min3A_27 = arith.constant dense<2147483647> : vector<1xi32>
      %reduce_min3A_28 = vector.multi_reduction <minsi>, %reduce_min3A, %reduce_min3A_27 [1, 2] : vector<1x512x1xi32> to vector<1xi32>
      %reduce_min3A_29 = vector.shape_cast %reduce_min3A_28 : vector<1xi32> to vector<1x1x1xi32>
      %reduce_min3A_30 = vector.extract %reduce_min3A_29[0, 0, 0] : i32 from vector<1x1x1xi32>
      %lt3A = arith.constant 32 : i32
      %lt3A_31 = arith.cmpi slt, %reduce_min3A_30, %lt3A : i32
      %convert_element_type3A_32 = arith.extui %lt3A_31 : i1 to i32
      %cond3A = arith.constant 0 : i32
      %cond3A_33 = arith.cmpi ne, %convert_element_type3A_32, %cond3A : i32
      %cond3A_34:2 = scf.if %cond3A_33 -> (vector<512x32xi32>, vector<512x1xi32>) {
        %mul3A_35 = arith.constant 512 : i32
        %mul3A_36 = arith.muli %scan3A_24, %mul3A_35 : i32
        %get3A_37 = arith.constant 0 : index
        %get3A_38 = arith.constant 0 : index
        %get3A_39 = arith.index_cast %mul3A_36 : i32 to index
        %get3A_40 = vector.load %arg3[%get3A_37, %get3A_38, %get3A_39] : memref<1x3x4096xf32, #tpu.memory_space<vmem>>, vector<1x3x512xf32>
        %get3A_41 = vector.shape_cast %get3A_40 : vector<1x3x512xf32> to vector<3x512xf32>
        %convert_element_type3A_42 = arith.truncf %get3A_41 : vector<3x512xf32> to vector<3x512xbf16>
        %dot_general3A = arith.constant dense<0.000000e+00> : vector<512x512xf32>
        %dot_general3A_43 = tpu.matmul %convert_element_type3A, %convert_element_type3A_42, %dot_general3A {dimension_numbers = #tpu.dot_dimension_numbers<[1], [0], [0], [1], [0, 0, 1, 1], [], []>, transpose_lhs_hint = false} : vector<512x3xbf16>, vector<3x512xbf16>, vector<512x512xf32> -> vector<512x512xf32>
        %mul3A_44 = arith.mulf %get3A_41, %get3A_41 : vector<3x512xf32>
        %reduce_sum3A_45 = arith.constant dense<0.000000e+00> : vector<512xf32>
        %reduce_sum3A_46 = vector.multi_reduction <add>, %mul3A_44, %reduce_sum3A_45 [0] : vector<3x512xf32> to vector<512xf32>
        %broadcast_in_dim3A_47 = vector.shape_cast %reduce_sum3A_46 : vector<512xf32> to vector<1x512xf32>
        %mul3A_48 = arith.constant -2.000000e+00 : f32
        %mul3A_49 = vector.broadcast %mul3A_48 : f32 to vector<512x512xf32>
        %mul3A_50 = arith.mulf %mul3A_49, %dot_general3A_43 : vector<512x512xf32>
        %add3A = vector.broadcast %broadcast_in_dim3A : vector<512x1xf32> to vector<512x512xf32>
        %add3A_51 = arith.addf %mul3A_50, %add3A : vector<512x512xf32>
        %add3A_52 = vector.broadcast %broadcast_in_dim3A_47 : vector<1x512xf32> to vector<512x512xf32>
        %add3A_53 = arith.addf %add3A_51, %add3A_52 : vector<512x512xf32>
        %le3A = arith.constant 2.500000e-01 : f32
        %le3A_54 = vector.broadcast %le3A : f32 to vector<512x512xf32>
        %le3A_55 = arith.cmpf ole, %add3A_53, %le3A_54 : vector<512x512xf32>
        %mul3A_56 = arith.constant 512 : i32
        %mul3A_57 = arith.muli %scan3A_24, %mul3A_56 : i32
        %add3A_58 = vector.broadcast %mul3A_57 : i32 to vector<512x512xi32>
        %add3A_59 = arith.addi %iota3A_5, %add3A_58 : vector<512x512xi32>
        %jit3A = arith.constant 1048576 : i32
        %broadcast_in_dim3A_60 = vector.broadcast %jit3A : i32 to vector<512x512xi32>
        %select_n3A_61 = arith.select %le3A_55, %add3A_59, %broadcast_in_dim3A_60 : vector<512x512xi1>, vector<512x512xi32>
        %scan3A_62 = arith.constant 0 : i32
        %scan3A_63 = arith.constant 32 : i32
        %scan3A_64 = arith.addi %scan3A_62, %scan3A_63 : i32
        %scan3A_65 = arith.constant 1 : i32
        %scan3A_66:3 = scf.for %scan3A_67 = %scan3A_62 to %scan3A_64 step %scan3A_65 iter_args(%scan3A_68 = %scan3A_25, %scan3A_69 = %scan3A_26, %scan3A_70 = %select_n3A_61) -> (vector<512x32xi32>, vector<512x1xi32>, vector<512x512xi32>)  : i32 {
          %reduce_min3A_71 = arith.constant dense<2147483647> : vector<512xi32>
          %reduce_min3A_72 = vector.multi_reduction <minsi>, %scan3A_70, %reduce_min3A_71 [1] : vector<512x512xi32> to vector<512xi32>
          %broadcast_in_dim3A_73 = vector.shape_cast %reduce_min3A_72 : vector<512xi32> to vector<512x1xi32>
          %lt3A_74 = arith.constant 1048576 : i32
          %lt3A_75 = vector.broadcast %lt3A_74 : i32 to vector<512x1xi32>
          %lt3A_76 = arith.cmpi slt, %broadcast_in_dim3A_73, %lt3A_75 : vector<512x1xi32>
          %eq3A_77 = vector.broadcast %scan3A_69 : vector<512x1xi32> to vector<512x32xi32>
          %eq3A_78 = arith.cmpi eq, %iota3A, %eq3A_77 : vector<512x32xi32>
          %and3A = vector.broadcast %lt3A_76 : vector<512x1xi1> to vector<512x32xi1>
          %and3A_79 = arith.andi %eq3A_78, %and3A : vector<512x32xi1>
          %broadcast_in_dim3A_80 = vector.shape_cast %broadcast_in_dim3A_73 : vector<512x1xi32> to vector<512x1xi32>
          %broadcast_in_dim3A_81 = vector.broadcast %broadcast_in_dim3A_80 : vector<512x1xi32> to vector<512x32xi32>
          %select_n3A_82 = arith.select %and3A_79, %broadcast_in_dim3A_81, %scan3A_68 : vector<512x32xi1>, vector<512x32xi32>
          %convert_element_type3A_83 = arith.extui %lt3A_76 : vector<512x1xi1> to vector<512x1xi32>
          %add3A_84 = arith.addi %scan3A_69, %convert_element_type3A_83 : vector<512x1xi32>
          %eq3A_85 = vector.broadcast %broadcast_in_dim3A_73 : vector<512x1xi32> to vector<512x512xi32>
          %eq3A_86 = arith.cmpi eq, %scan3A_70, %eq3A_85 : vector<512x512xi32>
          %jit3A_87 = arith.constant 1048576 : i32
          %broadcast_in_dim3A_88 = vector.broadcast %jit3A_87 : i32 to vector<512x512xi32>
          %select_n3A_89 = arith.select %eq3A_86, %broadcast_in_dim3A_88, %scan3A_70 : vector<512x512xi1>, vector<512x512xi32>
          scf.yield %select_n3A_82, %add3A_84, %select_n3A_89 : vector<512x32xi32>, vector<512x1xi32>, vector<512x512xi32>
        }
        scf.yield %scan3A_66#0, %scan3A_66#1 : vector<512x32xi32>, vector<512x1xi32>
      } else {
        scf.yield %scan3A_25, %scan3A_26 : vector<512x32xi32>, vector<512x1xi32>
      }
      scf.yield %cond3A_34#0, %cond3A_34#1 : vector<512x32xi32>, vector<512x1xi32>
    }
    %scan3A_14 = arith.constant 8 : i32
    %eq3A = arith.constant 4096 : i32
    %eq3A_15 = vector.broadcast %eq3A : i32 to vector<512x32xi32>
    %eq3A_16 = arith.cmpi eq, %scan3A_13#0, %eq3A_15 : vector<512x32xi32>
    %slice3A = vector.extract_strided_slice %scan3A_13#0 {offsets = [0, 0], sizes = [512, 1], strides = [1, 1]} : vector<512x32xi32> to vector<512x1xi32>
    %broadcast_in_dim3A_17 = vector.shape_cast %slice3A : vector<512x1xi32> to vector<512x1xi32>
    %broadcast_in_dim3A_18 = vector.broadcast %broadcast_in_dim3A_17 : vector<512x1xi32> to vector<512x32xi32>
    %select_n3A = arith.select %eq3A_16, %broadcast_in_dim3A_18, %scan3A_13#0 : vector<512x32xi1>, vector<512x32xi32>
    %swap3A = arith.constant 0 : index
    %swap3A_19 = arith.constant 0 : index
    %swap3A_20 = arith.constant 0 : index
    %swap3A_21 = vector.load %arg4[%swap3A, %swap3A_19, %swap3A_20] : memref<1x512x32xi32, #tpu.memory_space<vmem>>, vector<1x512x32xi32>
    %swap3A_22 = vector.shape_cast %swap3A_21 : vector<1x512x32xi32> to vector<512x32xi32>
    %swap3A_23 = vector.shape_cast %select_n3A : vector<512x32xi32> to vector<1x512x32xi32>
    tpu.vector_store %arg4[%swap3A, %swap3A_19, %swap3A_20], %swap3A_23 {strides = array<i32>} : memref<1x512x32xi32, #tpu.memory_space<vmem>>, vector<1x512x32xi32>,
    return
  }
  func.func @transform_0(%arg0: i32, %arg1: i32) -> (i32, i32, i32) {
    %c0_i32 = arith.constant 0 : i32
    %c0_i32_0 = arith.constant 0 : i32
    return %arg0, %arg1, %c0_i32 : i32, i32, i32
  }
  func.func @transform_1(%arg0: i32, %arg1: i32) -> (i32, i32, i32) {
    %c0_i32 = arith.constant 0 : i32
    %c0_i32_0 = arith.constant 0 : i32
    %c0_i32_1 = arith.constant 0 : i32
    return %arg0, %c0_i32, %c0_i32_0 : i32, i32, i32
  }
  func.func @transform_2(%arg0: i32, %arg1: i32) -> (i32, i32, i32) {
    %c0_i32 = arith.constant 0 : i32
    %c0_i32_0 = arith.constant 0 : i32
    return %arg0, %arg1, %c0_i32 : i32, i32, i32
  }
}

module attributes {stable_mosaic.version = 14 : i64} {
  func.func @_passA_body(%arg0: i32, %arg1: memref<2048x32xf32, #tpu.memory_space<vmem>>, %arg2: memref<64x32xf32, #tpu.memory_space<vmem>>, %arg3: memref<64x64xf32, #tpu.memory_space<vmem>>, %arg4: memref<1x64xf32, #tpu.memory_space<vmem>>) attributes {dimension_semantics = [#tpu.dimension_semantics<arbitrary>], iteration_bounds = array<i64: 128>, scalar_prefetch = 0 : i64, scratch_operands = 0 : i64, tpu.core_type = #tpu.core_type<tc>, window_params = [{transform_indices = @transform_0, window_bounds = array<i64: 2048, 32>}, {transform_indices = @transform_1, window_bounds = array<i64: 64, 32>}, {pipeline_mode = #tpu.pipeline_mode<synchronous>, transform_indices = @transform_2, window_bounds = array<i64: 64, 64>}, {pipeline_mode = #tpu.pipeline_mode<synchronous>, transform_indices = @transform_3, window_bounds = array<i64: 1, 64>}]} {
    %get3A = arith.constant 0 : index
    %get3A_0 = arith.constant 0 : index
    %get3A_1 = vector.load %arg1[%get3A, %get3A_0] : memref<2048x32xf32, #tpu.memory_space<vmem>>, vector<2048x32xf32>
    %reshape3A = vector.shape_cast %get3A_1 : vector<2048x32xf32> to vector<64x32x32xf32>
    %get3A_2 = arith.constant 0 : index
    %get3A_3 = arith.constant 0 : index
    %get3A_4 = vector.load %arg2[%get3A_2, %get3A_3] : memref<64x32xf32, #tpu.memory_space<vmem>>, vector<64x32xf32>
    %broadcast_in_dim3A = vector.shape_cast %get3A_4 : vector<64x32xf32> to vector<64x1x32xf32>
    %broadcast_in_dim3A_5 = vector.shape_cast %broadcast_in_dim3A : vector<64x1x32xf32> to vector<64x1x32xf32>
    %broadcast_in_dim3A_6 = vector.broadcast %broadcast_in_dim3A_5 : vector<64x1x32xf32> to vector<64x32x32xf32>
    %sub3A = arith.subf %reshape3A, %broadcast_in_dim3A_6 : vector<64x32x32xf32>
    %concatenate3A = tpu.concatenate %sub3A, %broadcast_in_dim3A_6 in 2 : vector<64x32x32xf32>, vector<64x32x32xf32> -> vector<64x32x64xf32>
    %reshape3A_7 = vector.shape_cast %concatenate3A : vector<64x32x64xf32> to vector<2048x64xf32>
    %dot_general3A = arith.constant dense<0.000000e+00> : vector<64x64xf32>
    %dot_general3A_8 = tpu.matmul %reshape3A_7, %reshape3A_7, %dot_general3A {dimension_numbers = #tpu.dot_dimension_numbers<[0], [0], [1], [1], [0, 1, 1, 1], [], []>, transpose_lhs_hint = false} : vector<2048x64xf32>, vector<2048x64xf32>, vector<64x64xf32> -> vector<64x64xf32>
    %reduce_sum3A = arith.constant dense<0.000000e+00> : vector<64xf32>
    %reduce_sum3A_9 = vector.multi_reduction <add>, %reshape3A_7, %reduce_sum3A [0] : vector<2048x64xf32> to vector<64xf32>
    %broadcast_in_dim3A_10 = vector.shape_cast %reduce_sum3A_9 : vector<64xf32> to vector<1x64xf32>
    %eq3A = arith.constant 0 : i32
    %eq3A_11 = arith.cmpi eq, %arg0, %eq3A : i32
    %convert_element_type3A = arith.extui %eq3A_11 : i1 to i32
    %cond3A = arith.constant 0 : i32
    %cond3A_12 = arith.cmpi ne, %convert_element_type3A, %cond3A : i32
    scf.if %cond3A_12 {
      %broadcast_in_dim3A_25 = arith.constant 0.000000e+00 : f32
      %broadcast_in_dim3A_26 = vector.broadcast %broadcast_in_dim3A_25 : f32 to vector<64x64xf32>
      %swap3A_27 = arith.constant 0 : index
      %swap3A_28 = arith.constant 0 : index
      %swap3A_29 = vector.load %arg3[%swap3A_27, %swap3A_28] : memref<64x64xf32, #tpu.memory_space<vmem>>, vector<64x64xf32>
      tpu.vector_store %arg3[%swap3A_27, %swap3A_28], %broadcast_in_dim3A_26 {strides = array<i32>} : memref<64x64xf32, #tpu.memory_space<vmem>>, vector<64x64xf32>,
      %broadcast_in_dim3A_30 = arith.constant 0.000000e+00 : f32
      %broadcast_in_dim3A_31 = vector.broadcast %broadcast_in_dim3A_30 : f32 to vector<1x64xf32>
      %swap3A_32 = arith.constant 0 : index
      %swap3A_33 = arith.constant 0 : index
      %swap3A_34 = vector.load %arg4[%swap3A_32, %swap3A_33] : memref<1x64xf32, #tpu.memory_space<vmem>>, vector<1x64xf32>
      tpu.vector_store %arg4[%swap3A_32, %swap3A_33], %broadcast_in_dim3A_31 {strides = array<i32>} : memref<1x64xf32, #tpu.memory_space<vmem>>, vector<1x64xf32>,
    } else {
    }
    %get3A_13 = arith.constant 0 : index
    %get3A_14 = arith.constant 0 : index
    %get3A_15 = vector.load %arg3[%get3A_13, %get3A_14] : memref<64x64xf32, #tpu.memory_space<vmem>>, vector<64x64xf32>
    %add3A = arith.addf %get3A_15, %dot_general3A_8 : vector<64x64xf32>
    %swap3A = arith.constant 0 : index
    %swap3A_16 = arith.constant 0 : index
    %swap3A_17 = vector.load %arg3[%swap3A, %swap3A_16] : memref<64x64xf32, #tpu.memory_space<vmem>>, vector<64x64xf32>
    tpu.vector_store %arg3[%swap3A, %swap3A_16], %add3A {strides = array<i32>} : memref<64x64xf32, #tpu.memory_space<vmem>>, vector<64x64xf32>,
    %get3A_18 = arith.constant 0 : index
    %get3A_19 = arith.constant 0 : index
    %get3A_20 = vector.load %arg4[%get3A_18, %get3A_19] : memref<1x64xf32, #tpu.memory_space<vmem>>, vector<1x64xf32>
    %add3A_21 = arith.addf %get3A_20, %broadcast_in_dim3A_10 : vector<1x64xf32>
    %swap3A_22 = arith.constant 0 : index
    %swap3A_23 = arith.constant 0 : index
    %swap3A_24 = vector.load %arg4[%swap3A_22, %swap3A_23] : memref<1x64xf32, #tpu.memory_space<vmem>>, vector<1x64xf32>
    tpu.vector_store %arg4[%swap3A_22, %swap3A_23], %add3A_21 {strides = array<i32>} : memref<1x64xf32, #tpu.memory_space<vmem>>, vector<1x64xf32>,
    return
  }
  func.func @transform_0(%arg0: i32) -> (i32, i32) {
    %c0_i32 = arith.constant 0 : i32
    %c0_i32_0 = arith.constant 0 : i32
    return %arg0, %c0_i32 : i32, i32
  }
  func.func @transform_1(%arg0: i32) -> (i32, i32) {
    %c0_i32 = arith.constant 0 : i32
    %c0_i32_0 = arith.constant 0 : i32
    return %arg0, %c0_i32 : i32, i32
  }
  func.func @transform_2(%arg0: i32) -> (i32, i32) {
    %c0_i32 = arith.constant 0 : i32
    %c0_i32_0 = arith.constant 0 : i32
    %c0_i32_1 = arith.constant 0 : i32
    return %c0_i32, %c0_i32_0 : i32, i32
  }
  func.func @transform_3(%arg0: i32) -> (i32, i32) {
    %c0_i32 = arith.constant 0 : i32
    %c0_i32_0 = arith.constant 0 : i32
    %c0_i32_1 = arith.constant 0 : i32
    return %c0_i32, %c0_i32_0 : i32, i32
  }
}

module attributes {stable_mosaic.version = 14 : i64} {
  func.func @_passB_body(%arg0: i32, %arg1: memref<2048x32xf32, #tpu.memory_space<vmem>>, %arg2: memref<64x32xf32, #tpu.memory_space<vmem>>, %arg3: memref<64x64xf32, #tpu.memory_space<vmem>>, %arg4: memref<64x64xf32, #tpu.memory_space<vmem>>, %arg5: memref<1x64xf32, #tpu.memory_space<vmem>>, %arg6: memref<1x64xf32, #tpu.memory_space<vmem>>, %arg7: memref<1x64xf32, #tpu.memory_space<vmem>>, %arg8: memref<64x64xf32, #tpu.memory_space<vmem>>, %arg9: memref<1x64xf32, #tpu.memory_space<vmem>>) attributes {dimension_semantics = [#tpu.dimension_semantics<arbitrary>], iteration_bounds = array<i64: 128>, scalar_prefetch = 0 : i64, scratch_operands = 0 : i64, tpu.core_type = #tpu.core_type<tc>, window_params = [{transform_indices = @transform_0, window_bounds = array<i64: 2048, 32>}, {transform_indices = @transform_1, window_bounds = array<i64: 64, 32>}, {pipeline_mode = #tpu.pipeline_mode<synchronous>, transform_indices = @transform_2, window_bounds = array<i64: 64, 64>}, {pipeline_mode = #tpu.pipeline_mode<synchronous>, transform_indices = @transform_3, window_bounds = array<i64: 64, 64>}, {pipeline_mode = #tpu.pipeline_mode<synchronous>, transform_indices = @transform_4, window_bounds = array<i64: 1, 64>}, {pipeline_mode = #tpu.pipeline_mode<synchronous>, transform_indices = @transform_5, window_bounds = array<i64: 1, 64>}, {pipeline_mode = #tpu.pipeline_mode<synchronous>, transform_indices = @transform_6, window_bounds = array<i64: 1, 64>}, {pipeline_mode = #tpu.pipeline_mode<synchronous>, transform_indices = @transform_7, window_bounds = array<i64: 64, 64>}, {pipeline_mode = #tpu.pipeline_mode<synchronous>, transform_indices = @transform_8, window_bounds = array<i64: 1, 64>}]} {
    %get3A = arith.constant 0 : index
    %get3A_0 = arith.constant 0 : index
    %get3A_1 = vector.load %arg1[%get3A, %get3A_0] : memref<2048x32xf32, #tpu.memory_space<vmem>>, vector<2048x32xf32>
    %reshape3A = vector.shape_cast %get3A_1 : vector<2048x32xf32> to vector<64x32x32xf32>
    %get3A_2 = arith.constant 0 : index
    %get3A_3 = arith.constant 0 : index
    %get3A_4 = vector.load %arg2[%get3A_2, %get3A_3] : memref<64x32xf32, #tpu.memory_space<vmem>>, vector<64x32xf32>
    %broadcast_in_dim3A = vector.shape_cast %get3A_4 : vector<64x32xf32> to vector<64x1x32xf32>
    %broadcast_in_dim3A_5 = vector.shape_cast %broadcast_in_dim3A : vector<64x1x32xf32> to vector<64x1x32xf32>
    %broadcast_in_dim3A_6 = vector.broadcast %broadcast_in_dim3A_5 : vector<64x1x32xf32> to vector<64x32x32xf32>
    %sub3A = arith.subf %reshape3A, %broadcast_in_dim3A_6 : vector<64x32x32xf32>
    %concatenate3A = tpu.concatenate %sub3A, %broadcast_in_dim3A_6 in 2 : vector<64x32x32xf32>, vector<64x32x32xf32> -> vector<64x32x64xf32>
    %reshape3A_7 = vector.shape_cast %concatenate3A : vector<64x32x64xf32> to vector<2048x64xf32>
    %get3A_8 = arith.constant 0 : index
    %get3A_9 = arith.constant 0 : index
    %get3A_10 = vector.load %arg3[%get3A_8, %get3A_9] : memref<64x64xf32, #tpu.memory_space<vmem>>, vector<64x64xf32>
    %get3A_11 = arith.constant 0 : index
    %get3A_12 = arith.constant 0 : index
    %get3A_13 = vector.load %arg4[%get3A_11, %get3A_12] : memref<64x64xf32, #tpu.memory_space<vmem>>, vector<64x64xf32>
    %get3A_14 = arith.constant 0 : index
    %get3A_15 = arith.constant 0 : index
    %get3A_16 = vector.load %arg5[%get3A_14, %get3A_15] : memref<1x64xf32, #tpu.memory_space<vmem>>, vector<1x64xf32>
    %get3A_17 = arith.constant 0 : index
    %get3A_18 = arith.constant 0 : index
    %get3A_19 = vector.load %arg6[%get3A_17, %get3A_18] : memref<1x64xf32, #tpu.memory_space<vmem>>, vector<1x64xf32>
    %get3A_20 = arith.constant 0 : index
    %get3A_21 = arith.constant 0 : index
    %get3A_22 = vector.load %arg7[%get3A_20, %get3A_21] : memref<1x64xf32, #tpu.memory_space<vmem>>, vector<1x64xf32>
    %div3A = arith.constant 2.621440e+05 : f32
    %div3A_23 = vector.broadcast %div3A : f32 to vector<1x64xf32>
    %div3A_24 = arith.divf %get3A_16, %div3A_23 : vector<1x64xf32>
    %dot_general3A = arith.constant dense<0.000000e+00> : vector<1x64xf32>
    %dot_general3A_25 = tpu.matmul %div3A_24, %get3A_10, %dot_general3A {dimension_numbers = #tpu.dot_dimension_numbers<[1], [1], [0], [0], [0, 0, 1, 0], [], []>, transpose_lhs_hint = false} : vector<1x64xf32>, vector<64x64xf32>, vector<1x64xf32> -> vector<1x64xf32>
    %dot_general3A_26 = arith.constant dense<0.000000e+00> : vector<64x64xf32>
    %dot_general3A_27 = tpu.matmul %get3A_10, %get3A_13, %dot_general3A_26 {dimension_numbers = #tpu.dot_dimension_numbers<[1], [0], [0], [1], [0, 0, 1, 1], [], []>, transpose_lhs_hint = false} : vector<64x64xf32>, vector<64x64xf32>, vector<64x64xf32> -> vector<64x64xf32>
    %dot_general3A_28 = arith.constant dense<0.000000e+00> : vector<64x64xf32>
    %dot_general3A_29 = tpu.matmul %dot_general3A_27, %get3A_10, %dot_general3A_28 {dimension_numbers = #tpu.dot_dimension_numbers<[1], [1], [0], [0], [0, 0, 1, 0], [], []>, transpose_lhs_hint = false} : vector<64x64xf32>, vector<64x64xf32>, vector<64x64xf32> -> vector<64x64xf32>
    %iota3A = tpu.iota {dimensions = array<i32: 0>} : vector<64x64xi32>
    %iota3A_30 = tpu.iota {dimensions = array<i32: 1>} : vector<64x64xi32>
    %eq3A = arith.cmpi eq, %iota3A, %iota3A_30 : vector<64x64xi32>
    %convert_element_type3A = arith.extui %eq3A : vector<64x64xi1> to vector<64x64xi32>
    %convert_element_type3A_31 = arith.sitofp %convert_element_type3A : vector<64x64xi32> to vector<64x64xf32>
    %mul3A = arith.mulf %dot_general3A_29, %convert_element_type3A_31 : vector<64x64xf32>
    %reduce_sum3A = arith.constant dense<0.000000e+00> : vector<64xf32>
    %reduce_sum3A_32 = vector.multi_reduction <add>, %mul3A, %reduce_sum3A [0] : vector<64x64xf32> to vector<64xf32>
    %broadcast_in_dim3A_33 = vector.shape_cast %reduce_sum3A_32 : vector<64xf32> to vector<1x64xf32>
    %div3A_34 = arith.constant 2.621440e+05 : f32
    %div3A_35 = vector.broadcast %div3A_34 : f32 to vector<1x64xf32>
    %div3A_36 = arith.divf %broadcast_in_dim3A_33, %div3A_35 : vector<1x64xf32>
    %mul3A_37 = arith.mulf %dot_general3A_25, %dot_general3A_25 : vector<1x64xf32>
    %sub3A_38 = arith.subf %div3A_36, %mul3A_37 : vector<1x64xf32>
    %add3A = arith.constant 9.99999974E-6 : f32
    %add3A_39 = vector.broadcast %add3A : f32 to vector<1x64xf32>
    %add3A_40 = arith.addf %sub3A_38, %add3A_39 : vector<1x64xf32>
    %rsqrt3A = math.rsqrt %add3A_40 : vector<1x64xf32>
    %mul3A_41 = arith.mulf %get3A_19, %rsqrt3A : vector<1x64xf32>
    %mul3A_42 = arith.mulf %dot_general3A_25, %mul3A_41 : vector<1x64xf32>
    %sub3A_43 = arith.subf %get3A_22, %mul3A_42 : vector<1x64xf32>
    %dot_general3A_44 = arith.constant dense<0.000000e+00> : vector<2048x64xf32>
    %dot_general3A_45 = tpu.matmul %reshape3A_7, %get3A_10, %dot_general3A_44 {dimension_numbers = #tpu.dot_dimension_numbers<[1], [1], [0], [0], [0, 0, 1, 0], [], []>, transpose_lhs_hint = false} : vector<2048x64xf32>, vector<64x64xf32>, vector<2048x64xf32> -> vector<2048x64xf32>
    %mul3A_46 = vector.broadcast %mul3A_41 : vector<1x64xf32> to vector<2048x64xf32>
    %mul3A_47 = arith.mulf %dot_general3A_45, %mul3A_46 : vector<2048x64xf32>
    %add3A_48 = vector.broadcast %sub3A_43 : vector<1x64xf32> to vector<2048x64xf32>
    %add3A_49 = arith.addf %mul3A_47, %add3A_48 : vector<2048x64xf32>
    %max3A = arith.constant 0.000000e+00 : f32
    %max3A_50 = vector.broadcast %max3A : f32 to vector<2048x64xf32>
    %max3A_51 = arith.maximumf %add3A_49, %max3A_50 : vector<2048x64xf32>
    %dot_general3A_52 = arith.constant dense<0.000000e+00> : vector<64x64xf32>
    %dot_general3A_53 = tpu.matmul %max3A_51, %max3A_51, %dot_general3A_52 {dimension_numbers = #tpu.dot_dimension_numbers<[0], [0], [1], [1], [0, 1, 1, 1], [], []>, transpose_lhs_hint = false} : vector<2048x64xf32>, vector<2048x64xf32>, vector<64x64xf32> -> vector<64x64xf32>
    %reduce_sum3A_54 = arith.constant dense<0.000000e+00> : vector<64xf32>
    %reduce_sum3A_55 = vector.multi_reduction <add>, %max3A_51, %reduce_sum3A_54 [0] : vector<2048x64xf32> to vector<64xf32>
    %broadcast_in_dim3A_56 = vector.shape_cast %reduce_sum3A_55 : vector<64xf32> to vector<1x64xf32>
    %eq3A_57 = arith.constant 0 : i32
    %eq3A_58 = arith.cmpi eq, %arg0, %eq3A_57 : i32
    %convert_element_type3A_59 = arith.extui %eq3A_58 : i1 to i32
    %cond3A = arith.constant 0 : i32
    %cond3A_60 = arith.cmpi ne, %convert_element_type3A_59, %cond3A : i32
    scf.if %cond3A_60 {
      %broadcast_in_dim3A_74 = arith.constant 0.000000e+00 : f32
      %broadcast_in_dim3A_75 = vector.broadcast %broadcast_in_dim3A_74 : f32 to vector<64x64xf32>
      %swap3A_76 = arith.constant 0 : index
      %swap3A_77 = arith.constant 0 : index
      %swap3A_78 = vector.load %arg8[%swap3A_76, %swap3A_77] : memref<64x64xf32, #tpu.memory_space<vmem>>, vector<64x64xf32>
      tpu.vector_store %arg8[%swap3A_76, %swap3A_77], %broadcast_in_dim3A_75 {strides = array<i32>} : memref<64x64xf32, #tpu.memory_space<vmem>>, vector<64x64xf32>,
      %broadcast_in_dim3A_79 = arith.constant 0.000000e+00 : f32
      %broadcast_in_dim3A_80 = vector.broadcast %broadcast_in_dim3A_79 : f32 to vector<1x64xf32>
      %swap3A_81 = arith.constant 0 : index
      %swap3A_82 = arith.constant 0 : index
      %swap3A_83 = vector.load %arg9[%swap3A_81, %swap3A_82] : memref<1x64xf32, #tpu.memory_space<vmem>>, vector<1x64xf32>
      tpu.vector_store %arg9[%swap3A_81, %swap3A_82], %broadcast_in_dim3A_80 {strides = array<i32>} : memref<1x64xf32, #tpu.memory_space<vmem>>, vector<1x64xf32>,
    } else {
    }
    %get3A_61 = arith.constant 0 : index
    %get3A_62 = arith.constant 0 : index
    %get3A_63 = vector.load %arg8[%get3A_61, %get3A_62] : memref<64x64xf32, #tpu.memory_space<vmem>>, vector<64x64xf32>
    %add3A_64 = arith.addf %get3A_63, %dot_general3A_53 : vector<64x64xf32>
    %swap3A = arith.constant 0 : index
    %swap3A_65 = arith.constant 0 : index
    %swap3A_66 = vector.load %arg8[%swap3A, %swap3A_65] : memref<64x64xf32, #tpu.memory_space<vmem>>, vector<64x64xf32>
    tpu.vector_store %arg8[%swap3A, %swap3A_65], %add3A_64 {strides = array<i32>} : memref<64x64xf32, #tpu.memory_space<vmem>>, vector<64x64xf32>,
    %get3A_67 = arith.constant 0 : index
    %get3A_68 = arith.constant 0 : index
    %get3A_69 = vector.load %arg9[%get3A_67, %get3A_68] : memref<1x64xf32, #tpu.memory_space<vmem>>, vector<1x64xf32>
    %add3A_70 = arith.addf %get3A_69, %broadcast_in_dim3A_56 : vector<1x64xf32>
    %swap3A_71 = arith.constant 0 : index
    %swap3A_72 = arith.constant 0 : index
    %swap3A_73 = vector.load %arg9[%swap3A_71, %swap3A_72] : memref<1x64xf32, #tpu.memory_space<vmem>>, vector<1x64xf32>
    tpu.vector_store %arg9[%swap3A_71, %swap3A_72], %add3A_70 {strides = array<i32>} : memref<1x64xf32, #tpu.memory_space<vmem>>, vector<1x64xf32>,
    return
  }
  func.func @transform_0(%arg0: i32) -> (i32, i32) {
    %c0_i32 = arith.constant 0 : i32
    %c0_i32_0 = arith.constant 0 : i32
    return %arg0, %c0_i32 : i32, i32
  }
  func.func @transform_1(%arg0: i32) -> (i32, i32) {
    %c0_i32 = arith.constant 0 : i32
    %c0_i32_0 = arith.constant 0 : i32
    return %arg0, %c0_i32 : i32, i32
  }
  func.func @transform_2(%arg0: i32) -> (i32, i32) {
    %c0_i32 = arith.constant 0 : i32
    %c0_i32_0 = arith.constant 0 : i32
    %c0_i32_1 = arith.constant 0 : i32
    return %c0_i32, %c0_i32_0 : i32, i32
  }
  func.func @transform_3(%arg0: i32) -> (i32, i32) {
    %c0_i32 = arith.constant 0 : i32
    %c0_i32_0 = arith.constant 0 : i32
    %c0_i32_1 = arith.constant 0 : i32
    return %c0_i32, %c0_i32_0 : i32, i32
  }
  func.func @transform_4(%arg0: i32) -> (i32, i32) {
    %c0_i32 = arith.constant 0 : i32
    %c0_i32_0 = arith.constant 0 : i32
    %c0_i32_1 = arith.constant 0 : i32
    return %c0_i32, %c0_i32_0 : i32, i32
  }
  func.func @transform_5(%arg0: i32) -> (i32, i32) {
    %c0_i32 = arith.constant 0 : i32
    %c0_i32_0 = arith.constant 0 : i32
    %c0_i32_1 = arith.constant 0 : i32
    return %c0_i32, %c0_i32_0 : i32, i32
  }
  func.func @transform_6(%arg0: i32) -> (i32, i32) {
    %c0_i32 = arith.constant 0 : i32
    %c0_i32_0 = arith.constant 0 : i32
    %c0_i32_1 = arith.constant 0 : i32
    return %c0_i32, %c0_i32_0 : i32, i32
  }
  func.func @transform_7(%arg0: i32) -> (i32, i32) {
    %c0_i32 = arith.constant 0 : i32
    %c0_i32_0 = arith.constant 0 : i32
    %c0_i32_1 = arith.constant 0 : i32
    return %c0_i32, %c0_i32_0 : i32, i32
  }
  func.func @transform_8(%arg0: i32) -> (i32, i32) {
    %c0_i32 = arith.constant 0 : i32
    %c0_i32_0 = arith.constant 0 : i32
    %c0_i32_1 = arith.constant 0 : i32
    return %c0_i32, %c0_i32_0 : i32, i32
  }
}

module attributes {stable_mosaic.version = 14 : i64} {
  func.func @_passC_body(%arg0: i32, %arg1: memref<2048x32xf32, #tpu.memory_space<vmem>>, %arg2: memref<64x32xf32, #tpu.memory_space<vmem>>, %arg3: memref<64x64xf32, #tpu.memory_space<vmem>>, %arg4: memref<64x64xf32, #tpu.memory_space<vmem>>, %arg5: memref<1x64xf32, #tpu.memory_space<vmem>>, %arg6: memref<1x64xf32, #tpu.memory_space<vmem>>, %arg7: memref<1x64xf32, #tpu.memory_space<vmem>>, %arg8: memref<64x64xf32, #tpu.memory_space<vmem>>, %arg9: memref<64x64xf32, #tpu.memory_space<vmem>>, %arg10: memref<1x64xf32, #tpu.memory_space<vmem>>, %arg11: memref<1x64xf32, #tpu.memory_space<vmem>>, %arg12: memref<1x64xf32, #tpu.memory_space<vmem>>, %arg13: memref<64x64xf32, #tpu.memory_space<vmem>>) attributes {dimension_semantics = [#tpu.dimension_semantics<arbitrary>], iteration_bounds = array<i64: 128>, scalar_prefetch = 0 : i64, scratch_operands = 0 : i64, tpu.core_type = #tpu.core_type<tc>, window_params = [{transform_indices = @transform_0, window_bounds = array<i64: 2048, 32>}, {transform_indices = @transform_1, window_bounds = array<i64: 64, 32>}, {pipeline_mode = #tpu.pipeline_mode<synchronous>, transform_indices = @transform_2, window_bounds = array<i64: 64, 64>}, {pipeline_mode = #tpu.pipeline_mode<synchronous>, transform_indices = @transform_3, window_bounds = array<i64: 64, 64>}, {pipeline_mode = #tpu.pipeline_mode<synchronous>, transform_indices = @transform_4, window_bounds = array<i64: 1, 64>}, {pipeline_mode = #tpu.pipeline_mode<synchronous>, transform_indices = @transform_5, window_bounds = array<i64: 1, 64>}, {pipeline_mode = #tpu.pipeline_mode<synchronous>, transform_indices = @transform_6, window_bounds = array<i64: 1, 64>}, {pipeline_mode = #tpu.pipeline_mode<synchronous>, transform_indices = @transform_7, window_bounds = array<i64: 64, 64>}, {pipeline_mode = #tpu.pipeline_mode<synchronous>, transform_indices = @transform_8, window_bounds = array<i64: 64, 64>}, {pipeline_mode = #tpu.pipeline_mode<synchronous>, transform_indices = @transform_9, window_bounds = array<i64: 1, 64>}, {pipeline_mode = #tpu.pipeline_mode<synchronous>, transform_indices = @transform_10, window_bounds = array<i64: 1, 64>}, {pipeline_mode = #tpu.pipeline_mode<synchronous>, transform_indices = @transform_11, window_bounds = array<i64: 1, 64>}, {transform_indices = @transform_12, window_bounds = array<i64: 64, 64>}]} {
    %get3A = arith.constant 0 : index
    %get3A_0 = arith.constant 0 : index
    %get3A_1 = vector.load %arg1[%get3A, %get3A_0] : memref<2048x32xf32, #tpu.memory_space<vmem>>, vector<2048x32xf32>
    %reshape3A = vector.shape_cast %get3A_1 : vector<2048x32xf32> to vector<64x32x32xf32>
    %get3A_2 = arith.constant 0 : index
    %get3A_3 = arith.constant 0 : index
    %get3A_4 = vector.load %arg2[%get3A_2, %get3A_3] : memref<64x32xf32, #tpu.memory_space<vmem>>, vector<64x32xf32>
    %broadcast_in_dim3A = vector.shape_cast %get3A_4 : vector<64x32xf32> to vector<64x1x32xf32>
    %broadcast_in_dim3A_5 = vector.shape_cast %broadcast_in_dim3A : vector<64x1x32xf32> to vector<64x1x32xf32>
    %broadcast_in_dim3A_6 = vector.broadcast %broadcast_in_dim3A_5 : vector<64x1x32xf32> to vector<64x32x32xf32>
    %sub3A = arith.subf %reshape3A, %broadcast_in_dim3A_6 : vector<64x32x32xf32>
    %concatenate3A = tpu.concatenate %sub3A, %broadcast_in_dim3A_6 in 2 : vector<64x32x32xf32>, vector<64x32x32xf32> -> vector<64x32x64xf32>
    %reshape3A_7 = vector.shape_cast %concatenate3A : vector<64x32x64xf32> to vector<2048x64xf32>
    %get3A_8 = arith.constant 0 : index
    %get3A_9 = arith.constant 0 : index
    %get3A_10 = vector.load %arg3[%get3A_8, %get3A_9] : memref<64x64xf32, #tpu.memory_space<vmem>>, vector<64x64xf32>
    %get3A_11 = arith.constant 0 : index
    %get3A_12 = arith.constant 0 : index
    %get3A_13 = vector.load %arg4[%get3A_11, %get3A_12] : memref<64x64xf32, #tpu.memory_space<vmem>>, vector<64x64xf32>
    %get3A_14 = arith.constant 0 : index
    %get3A_15 = arith.constant 0 : index
    %get3A_16 = vector.load %arg5[%get3A_14, %get3A_15] : memref<1x64xf32, #tpu.memory_space<vmem>>, vector<1x64xf32>
    %get3A_17 = arith.constant 0 : index
    %get3A_18 = arith.constant 0 : index
    %get3A_19 = vector.load %arg6[%get3A_17, %get3A_18] : memref<1x64xf32, #tpu.memory_space<vmem>>, vector<1x64xf32>
    %get3A_20 = arith.constant 0 : index
    %get3A_21 = arith.constant 0 : index
    %get3A_22 = vector.load %arg7[%get3A_20, %get3A_21] : memref<1x64xf32, #tpu.memory_space<vmem>>, vector<1x64xf32>
    %div3A = arith.constant 2.621440e+05 : f32
    %div3A_23 = vector.broadcast %div3A : f32 to vector<1x64xf32>
    %div3A_24 = arith.divf %get3A_16, %div3A_23 : vector<1x64xf32>
    %dot_general3A = arith.constant dense<0.000000e+00> : vector<1x64xf32>
    %dot_general3A_25 = tpu.matmul %div3A_24, %get3A_10, %dot_general3A {dimension_numbers = #tpu.dot_dimension_numbers<[1], [1], [0], [0], [0, 0, 1, 0], [], []>, transpose_lhs_hint = false} : vector<1x64xf32>, vector<64x64xf32>, vector<1x64xf32> -> vector<1x64xf32>
    %dot_general3A_26 = arith.constant dense<0.000000e+00> : vector<64x64xf32>
    %dot_general3A_27 = tpu.matmul %get3A_10, %get3A_13, %dot_general3A_26 {dimension_numbers = #tpu.dot_dimension_numbers<[1], [0], [0], [1], [0, 0, 1, 1], [], []>, transpose_lhs_hint = false} : vector<64x64xf32>, vector<64x64xf32>, vector<64x64xf32> -> vector<64x64xf32>
    %dot_general3A_28 = arith.constant dense<0.000000e+00> : vector<64x64xf32>
    %dot_general3A_29 = tpu.matmul %dot_general3A_27, %get3A_10, %dot_general3A_28 {dimension_numbers = #tpu.dot_dimension_numbers<[1], [1], [0], [0], [0, 0, 1, 0], [], []>, transpose_lhs_hint = false} : vector<64x64xf32>, vector<64x64xf32>, vector<64x64xf32> -> vector<64x64xf32>
    %iota3A = tpu.iota {dimensions = array<i32: 0>} : vector<64x64xi32>
    %iota3A_30 = tpu.iota {dimensions = array<i32: 1>} : vector<64x64xi32>
    %eq3A = arith.cmpi eq, %iota3A, %iota3A_30 : vector<64x64xi32>
    %convert_element_type3A = arith.extui %eq3A : vector<64x64xi1> to vector<64x64xi32>
    %convert_element_type3A_31 = arith.sitofp %convert_element_type3A : vector<64x64xi32> to vector<64x64xf32>
    %mul3A = arith.mulf %dot_general3A_29, %convert_element_type3A_31 : vector<64x64xf32>
    %reduce_sum3A = arith.constant dense<0.000000e+00> : vector<64xf32>
    %reduce_sum3A_32 = vector.multi_reduction <add>, %mul3A, %reduce_sum3A [0] : vector<64x64xf32> to vector<64xf32>
    %broadcast_in_dim3A_33 = vector.shape_cast %reduce_sum3A_32 : vector<64xf32> to vector<1x64xf32>
    %div3A_34 = arith.constant 2.621440e+05 : f32
    %div3A_35 = vector.broadcast %div3A_34 : f32 to vector<1x64xf32>
    %div3A_36 = arith.divf %broadcast_in_dim3A_33, %div3A_35 : vector<1x64xf32>
    %mul3A_37 = arith.mulf %dot_general3A_25, %dot_general3A_25 : vector<1x64xf32>
    %sub3A_38 = arith.subf %div3A_36, %mul3A_37 : vector<1x64xf32>
    %add3A = arith.constant 9.99999974E-6 : f32
    %add3A_39 = vector.broadcast %add3A : f32 to vector<1x64xf32>
    %add3A_40 = arith.addf %sub3A_38, %add3A_39 : vector<1x64xf32>
    %rsqrt3A = math.rsqrt %add3A_40 : vector<1x64xf32>
    %mul3A_41 = arith.mulf %get3A_19, %rsqrt3A : vector<1x64xf32>
    %mul3A_42 = arith.mulf %dot_general3A_25, %mul3A_41 : vector<1x64xf32>
    %sub3A_43 = arith.subf %get3A_22, %mul3A_42 : vector<1x64xf32>
    %dot_general3A_44 = arith.constant dense<0.000000e+00> : vector<2048x64xf32>
    %dot_general3A_45 = tpu.matmul %reshape3A_7, %get3A_10, %dot_general3A_44 {dimension_numbers = #tpu.dot_dimension_numbers<[1], [1], [0], [0], [0, 0, 1, 0], [], []>, transpose_lhs_hint = false} : vector<2048x64xf32>, vector<64x64xf32>, vector<2048x64xf32> -> vector<2048x64xf32>
    %mul3A_46 = vector.broadcast %mul3A_41 : vector<1x64xf32> to vector<2048x64xf32>
    %mul3A_47 = arith.mulf %dot_general3A_45, %mul3A_46 : vector<2048x64xf32>
    %add3A_48 = vector.broadcast %sub3A_43 : vector<1x64xf32> to vector<2048x64xf32>
    %add3A_49 = arith.addf %mul3A_47, %add3A_48 : vector<2048x64xf32>
    %max3A = arith.constant 0.000000e+00 : f32
    %max3A_50 = vector.broadcast %max3A : f32 to vector<2048x64xf32>
    %max3A_51 = arith.maximumf %add3A_49, %max3A_50 : vector<2048x64xf32>
    %get3A_52 = arith.constant 0 : index
    %get3A_53 = arith.constant 0 : index
    %get3A_54 = vector.load %arg8[%get3A_52, %get3A_53] : memref<64x64xf32, #tpu.memory_space<vmem>>, vector<64x64xf32>
    %get3A_55 = arith.constant 0 : index
    %get3A_56 = arith.constant 0 : index
    %get3A_57 = vector.load %arg9[%get3A_55, %get3A_56] : memref<64x64xf32, #tpu.memory_space<vmem>>, vector<64x64xf32>
    %get3A_58 = arith.constant 0 : index
    %get3A_59 = arith.constant 0 : index
    %get3A_60 = vector.load %arg10[%get3A_58, %get3A_59] : memref<1x64xf32, #tpu.memory_space<vmem>>, vector<1x64xf32>
    %get3A_61 = arith.constant 0 : index
    %get3A_62 = arith.constant 0 : index
    %get3A_63 = vector.load %arg11[%get3A_61, %get3A_62] : memref<1x64xf32, #tpu.memory_space<vmem>>, vector<1x64xf32>
    %get3A_64 = arith.constant 0 : index
    %get3A_65 = arith.constant 0 : index
    %get3A_66 = vector.load %arg12[%get3A_64, %get3A_65] : memref<1x64xf32, #tpu.memory_space<vmem>>, vector<1x64xf32>
    %div3A_67 = arith.constant 2.621440e+05 : f32
    %div3A_68 = vector.broadcast %div3A_67 : f32 to vector<1x64xf32>
    %div3A_69 = arith.divf %get3A_60, %div3A_68 : vector<1x64xf32>
    %dot_general3A_70 = arith.constant dense<0.000000e+00> : vector<1x64xf32>
    %dot_general3A_71 = tpu.matmul %div3A_69, %get3A_54, %dot_general3A_70 {dimension_numbers = #tpu.dot_dimension_numbers<[1], [1], [0], [0], [0, 0, 1, 0], [], []>, transpose_lhs_hint = false} : vector<1x64xf32>, vector<64x64xf32>, vector<1x64xf32> -> vector<1x64xf32>
    %dot_general3A_72 = arith.constant dense<0.000000e+00> : vector<64x64xf32>
    %dot_general3A_73 = tpu.matmul %get3A_54, %get3A_57, %dot_general3A_72 {dimension_numbers = #tpu.dot_dimension_numbers<[1], [0], [0], [1], [0, 0, 1, 1], [], []>, transpose_lhs_hint = false} : vector<64x64xf32>, vector<64x64xf32>, vector<64x64xf32> -> vector<64x64xf32>
    %dot_general3A_74 = arith.constant dense<0.000000e+00> : vector<64x64xf32>
    %dot_general3A_75 = tpu.matmul %dot_general3A_73, %get3A_54, %dot_general3A_74 {dimension_numbers = #tpu.dot_dimension_numbers<[1], [1], [0], [0], [0, 0, 1, 0], [], []>, transpose_lhs_hint = false} : vector<64x64xf32>, vector<64x64xf32>, vector<64x64xf32> -> vector<64x64xf32>
    %iota3A_76 = tpu.iota {dimensions = array<i32: 0>} : vector<64x64xi32>
    %iota3A_77 = tpu.iota {dimensions = array<i32: 1>} : vector<64x64xi32>
    %eq3A_78 = arith.cmpi eq, %iota3A_76, %iota3A_77 : vector<64x64xi32>
    %convert_element_type3A_79 = arith.extui %eq3A_78 : vector<64x64xi1> to vector<64x64xi32>
    %convert_element_type3A_80 = arith.sitofp %convert_element_type3A_79 : vector<64x64xi32> to vector<64x64xf32>
    %mul3A_81 = arith.mulf %dot_general3A_75, %convert_element_type3A_80 : vector<64x64xf32>
    %reduce_sum3A_82 = arith.constant dense<0.000000e+00> : vector<64xf32>
    %reduce_sum3A_83 = vector.multi_reduction <add>, %mul3A_81, %reduce_sum3A_82 [0] : vector<64x64xf32> to vector<64xf32>
    %broadcast_in_dim3A_84 = vector.shape_cast %reduce_sum3A_83 : vector<64xf32> to vector<1x64xf32>
    %div3A_85 = arith.constant 2.621440e+05 : f32
    %div3A_86 = vector.broadcast %div3A_85 : f32 to vector<1x64xf32>
    %div3A_87 = arith.divf %broadcast_in_dim3A_84, %div3A_86 : vector<1x64xf32>
    %mul3A_88 = arith.mulf %dot_general3A_71, %dot_general3A_71 : vector<1x64xf32>
    %sub3A_89 = arith.subf %div3A_87, %mul3A_88 : vector<1x64xf32>
    %add3A_90 = arith.constant 9.99999974E-6 : f32
    %add3A_91 = vector.broadcast %add3A_90 : f32 to vector<1x64xf32>
    %add3A_92 = arith.addf %sub3A_89, %add3A_91 : vector<1x64xf32>
    %rsqrt3A_93 = math.rsqrt %add3A_92 : vector<1x64xf32>
    %mul3A_94 = arith.mulf %get3A_63, %rsqrt3A_93 : vector<1x64xf32>
    %mul3A_95 = arith.mulf %dot_general3A_71, %mul3A_94 : vector<1x64xf32>
    %sub3A_96 = arith.subf %get3A_66, %mul3A_95 : vector<1x64xf32>
    %dot_general3A_97 = arith.constant dense<0.000000e+00> : vector<2048x64xf32>
    %dot_general3A_98 = tpu.matmul %max3A_51, %get3A_54, %dot_general3A_97 {dimension_numbers = #tpu.dot_dimension_numbers<[1], [1], [0], [0], [0, 0, 1, 0], [], []>, transpose_lhs_hint = false} : vector<2048x64xf32>, vector<64x64xf32>, vector<2048x64xf32> -> vector<2048x64xf32>
    %mul3A_99 = vector.broadcast %mul3A_94 : vector<1x64xf32> to vector<2048x64xf32>
    %mul3A_100 = arith.mulf %dot_general3A_98, %mul3A_99 : vector<2048x64xf32>
    %add3A_101 = vector.broadcast %sub3A_96 : vector<1x64xf32> to vector<2048x64xf32>
    %add3A_102 = arith.addf %mul3A_100, %add3A_101 : vector<2048x64xf32>
    %max3A_103 = arith.constant 0.000000e+00 : f32
    %max3A_104 = vector.broadcast %max3A_103 : f32 to vector<2048x64xf32>
    %max3A_105 = arith.maximumf %add3A_102, %max3A_104 : vector<2048x64xf32>
    %reshape3A_106 = vector.shape_cast %max3A_105 : vector<2048x64xf32> to vector<64x32x64xf32>
    %reduce_max3A = arith.constant dense<0xFF800000> : vector<64x64xf32>
    %reduce_max3A_107 = vector.multi_reduction <maximumf>, %reshape3A_106, %reduce_max3A [1] : vector<64x32x64xf32> to vector<64x64xf32>
    %swap3A = arith.constant 0 : index
    %swap3A_108 = arith.constant 0 : index
    %swap3A_109 = vector.load %arg13[%swap3A, %swap3A_108] : memref<64x64xf32, #tpu.memory_space<vmem>>, vector<64x64xf32>
    tpu.vector_store %arg13[%swap3A, %swap3A_108], %reduce_max3A_107 {strides = array<i32>} : memref<64x64xf32, #tpu.memory_space<vmem>>, vector<64x64xf32>,
    return
  }
  func.func @transform_0(%arg0: i32) -> (i32, i32) {
    %c0_i32 = arith.constant 0 : i32
    %c0_i32_0 = arith.constant 0 : i32
    return %arg0, %c0_i32 : i32, i32
  }
  func.func @transform_1(%arg0: i32) -> (i32, i32) {
    %c0_i32 = arith.constant 0 : i32
    %c0_i32_0 = arith.constant 0 : i32
    return %arg0, %c0_i32 : i32, i32
  }
  func.func @transform_2(%arg0: i32) -> (i32, i32) {
    %c0_i32 = arith.constant 0 : i32
    %c0_i32_0 = arith.constant 0 : i32
    %c0_i32_1 = arith.constant 0 : i32
    return %c0_i32, %c0_i32_0 : i32, i32
  }
  func.func @transform_3(%arg0: i32) -> (i32, i32) {
    %c0_i32 = arith.constant 0 : i32
    %c0_i32_0 = arith.constant 0 : i32
    %c0_i32_1 = arith.constant 0 : i32
    return %c0_i32, %c0_i32_0 : i32, i32
  }
  func.func @transform_4(%arg0: i32) -> (i32, i32) {
    %c0_i32 = arith.constant 0 : i32
    %c0_i32_0 = arith.constant 0 : i32
    %c0_i32_1 = arith.constant 0 : i32
    return %c0_i32, %c0_i32_0 : i32, i32
  }
  func.func @transform_5(%arg0: i32) -> (i32, i32) {
    %c0_i32 = arith.constant 0 : i32
    %c0_i32_0 = arith.constant 0 : i32
    %c0_i32_1 = arith.constant 0 : i32
    return %c0_i32, %c0_i32_0 : i32, i32
  }
  func.func @transform_6(%arg0: i32) -> (i32, i32) {
    %c0_i32 = arith.constant 0 : i32
    %c0_i32_0 = arith.constant 0 : i32
    %c0_i32_1 = arith.constant 0 : i32
    return %c0_i32, %c0_i32_0 : i32, i32
  }
  func.func @transform_7(%arg0: i32) -> (i32, i32) {
    %c0_i32 = arith.constant 0 : i32
    %c0_i32_0 = arith.constant 0 : i32
    %c0_i32_1 = arith.constant 0 : i32
    return %c0_i32, %c0_i32_0 : i32, i32
  }
  func.func @transform_8(%arg0: i32) -> (i32, i32) {
    %c0_i32 = arith.constant 0 : i32
    %c0_i32_0 = arith.constant 0 : i32
    %c0_i32_1 = arith.constant 0 : i32
    return %c0_i32, %c0_i32_0 : i32, i32
  }
  func.func @transform_9(%arg0: i32) -> (i32, i32) {
    %c0_i32 = arith.constant 0 : i32
    %c0_i32_0 = arith.constant 0 : i32
    %c0_i32_1 = arith.constant 0 : i32
    return %c0_i32, %c0_i32_0 : i32, i32
  }
  func.func @transform_10(%arg0: i32) -> (i32, i32) {
    %c0_i32 = arith.constant 0 : i32
    %c0_i32_0 = arith.constant 0 : i32
    %c0_i32_1 = arith.constant 0 : i32
    return %c0_i32, %c0_i32_0 : i32, i32
  }
  func.func @transform_11(%arg0: i32) -> (i32, i32) {
    %c0_i32 = arith.constant 0 : i32
    %c0_i32_0 = arith.constant 0 : i32
    %c0_i32_1 = arith.constant 0 : i32
    return %c0_i32, %c0_i32_0 : i32, i32
  }
  func.func @transform_12(%arg0: i32) -> (i32, i32) {
    %c0_i32 = arith.constant 0 : i32
    %c0_i32_0 = arith.constant 0 : i32
    return %arg0, %c0_i32 : i32, i32
  }
}

</mosaic_0001>

<sc_bundles>
// kernel: kernel.8.cloned.1.call-start
scs
__scs_entry_jumppad:
0x0: {  	(pc) =	sbr.rel $0x88, $3  }
0x1: {  	(tag) =	ssettag $0x0;
	lr =	simm.s32 $0x1  }
0x2: {  	[smem:$0x3F99] =	sst lr;
	_ =	strace $0xD0000000  }
0x3: {  	_ = 	snop  }
0x4: {  	_ = 	snop  }
0x5: {  	_ = 	snop  }
0x6: {  	_ = 	snop  }
0x7: {  	_ = 	snop  }
__scs_overlays_trampoline_lowered:
0x8: {  	[smem:$0x3FA8] =	sst s0  }
0x9: {  	[smem:$0x3FA9] =	sst s1  }
0xa: {  	[smem:$0x3FAA] =	sst s2  }
0xb: {  	[smem:$0x3FAB] =	sst s3  }
0xc: {  	[smem:$0x3FAC] =	sst s4  }
0xd: {  	[smem:$0x3FAD] =	sst s5  }
0xe: {  	[smem:$0x3FAE] =	sst s6  }
0xf: {  	[smem:$0x3FAF] =	sst s7  }
0x10: {  	[smem:$0x3FB0] =	sst s8  }
0x11: {  	[smem:$0x3FB1] =	sst s9;
	s0 =	simm.s32 @!p0 $0x0  }
0x12: {  	s1 =	sld [smem:$0x3F97];
	s0 =	simm.s32 @p0 $0x1  }
0x13: {  	[smem:$0x3FB2] =	sst s0;
	s0 =	simm.s32 @!p1 $0x0  }
0x14: {  	s2 =	sld [smem:$0x3F96];
	s0 =	simm.s32 @p1 $0x1  }
0x15: {  	[smem:$0x3FB3] =	sst s0;
	s0 =	simm.s32 @!p2 $0x0  }
0x16: {  	s3 =	sld [smem:$0x3FDB];
	s0 =	simm.s32 @p2 $0x1  }
0x17: {  	s4 =	simm.s32 $0x1BF5;
	[smem:$0x3FB5] =	sst s0  }
0x18: {  	s0 =	sld [smem:$0x3F98];
	_ =	swait.ge [sflag:s4], $0x0  }
0x19: {  	s7 =	sld [smem:$0x3F99]  }
0x1a: {  	s8 =	sadd.s32 $0xFFFFE003, lr  }
0x1b: {  	s9 =	sadd.s32 $0xFFFFFEF7, lr;
	s5 =	simm.s32 $0xFFFFFFFF;
	p2 =	slt.u32 s8, $0xFFFFF086  }
0x1c: {  	p1 =	slt.u32 s9, $0xF7A;
	s5 =	simm.s32 @!p2 $0x0  }
0x1d: {  	s5 =	simm.s32 @p1 $0x1;
	p0 =	seq.s32 s7, s2  }
0x1e: {  	s7 =	smul.u32 @!p0 $0xF7A, s2;
	p2 =	seq.s32 @!p0 s5, $0x0  }
0x1f: {  	s9 =	smul.u32 $0xF7A, s1;
	s8 =	simm.s32 @!p0 $0x1BF5;
	p2 =	por !p2, p0  }
0x20: {  	[sflag:s8] =	ssyncset.s32 @!p0 $0xFFFFF086;
	s6 =	sadd.s32 @!p0 s3, s7;
	s7 =	simm.s32 @!p0 $0x108  }
0x21: {  	s3 =	sadd.s32 s3, s9;
	s6 =	sadd.s32 @!p0 $0x88, s6;
	s7 =	simm.s32 @p2 $0x1082  }
0x22: {  	[simem:s7], [sflag:s8] =	dma.local @!p0 [hbm:s6], $0xF7A  }
0x23: {  	s9 =	sor.u32 $0xD0000000, s2;
	s6 =	simm.s32 $0x108;
	_ =	swait.ge @!p0 [sflag:s8], $0x0  }
0x24: {  	s3 =	sadd.s32 $0x88, s3;
	s6 =	simm.s32 @!p1 $0x1082;
	[sflag:s4] =	ssyncset.s32 $0xFFFFF086  }
0x25: {  	[simem:s6], [sflag:s4] =	dma.local [hbm:s3], $0xF7A  }
0x26: {  	[smem:$0x3F99] =	sst s1;
	(tag) =	ssettag s2;
	_ =	strace s9  }
0x27: {  	s1 =	sld [smem:$0x3FA9]  }
0x28: {  	s2 =	sld [smem:$0x3FAA]  }
0x29: {  	s4 =	sld [smem:$0x3FAC]  }
0x2a: {  	p0 =	seq.s32 s5, $0x0;
	s5 =	sld [smem:$0x3FAD]  }
0x2b: {  	s6 =	sld [smem:$0x3FAE]  }
0x2c: {  	s7 =	sld [smem:$0x3FAF]  }
0x2d: {  	s3 =	simm.s32 $0x108;
	s8 =	sld [smem:$0x3FB0]  }
0x2e: {  	s3 =	simm.s32 @!p0 $0x1082;
	s9 =	sld [smem:$0x3FB1]  }
0x2f: {  	lr =	sadd.s32 s0, s3;
	s0 =	sld [smem:$0x3FA8]  }
0x30: {  	s3 =	sld [smem:$0x3FAB]  }
0x31: {  	[smem:$0x3FB4] =	sst s10  }
0x32: {  	s10 =	sld [smem:$0x3FB2];
	_ =	sdelay $0x3  }
0x33: {  	p0 =	seq.s32 s10, $0x1;
	s10 =	sld [smem:$0x3FB4];
	_ =	sdelay $0x3  }
0x34: {  	[smem:$0x3FB4] =	sst s10  }
0x35: {  	s10 =	sld [smem:$0x3FB3];
	_ =	sdelay $0x3  }
0x36: {  	p1 =	seq.s32 s10, $0x1;
	s10 =	sld [smem:$0x3FB4];
	_ =	sdelay $0x3  }
0x37: {  	[smem:$0x3FB4] =	sst s10  }
0x38: {  	s10 =	sld [smem:$0x3FB5]  }
0x39: {  	_ = 	snop;
	(pc) =	sbr.ind lr, $3  }
0x3a: {  	_ = 	snop  }
0x3b: {  	_ = 	snop  }
0x3c: {  	p2 =	seq.s32 s10, $0x1;
	s10 =	sld [smem:$0x3FB4]  }
0x3d: {  	_ =	shalt  }
0x3e: {  	_ =	shalt  }
0x3f: {  	_ =	shalt  }
0x40: {  	_ =	shalt  }
0x41: {  	_ =	shalt  }
0x42: {  	_ =	shalt  }
0x43: {  	_ =	shalt  }
0x44: {  	_ =	shalt  }
0x45: {  	_ =	shalt  }
0x46: {  	_ =	shalt  }
0x47: {  	_ =	shalt  }
0x48: {  	_ =	shalt  }
0x49: {  	_ =	shalt  }
0x4a: {  	_ =	shalt  }
0x4b: {  	_ =	shalt  }
0x4c: {  	_ =	shalt  }
0x4d: {  	_ =	shalt  }
0x4e: {  	_ =	shalt  }
0x4f: {  	_ =	shalt  }
0x50: {  	_ =	shalt  }
0x51: {  	_ =	shalt  }
0x52: {  	_ =	shalt  }
0x53: {  	_ =	shalt  }
0x54: {  	_ =	shalt  }
0x55: {  	_ =	shalt  }
0x56: {  	_ =	shalt  }
0x57: {  	_ =	shalt  }
0x58: {  	_ =	shalt  }
0x59: {  	_ =	shalt  }
0x5a: {  	_ =	shalt  }
0x5b: {  	_ =	shalt  }
0x5c: {  	_ =	shalt  }
0x5d: {  	_ =	shalt  }
0x5e: {  	_ =	shalt  }
0x5f: {  	_ =	shalt  }
0x60: {  	_ =	shalt  }
0x61: {  	_ =	shalt  }
0x62: {  	_ =	shalt  }
0x63: {  	_ =	shalt  }
0x64: {  	_ =	shalt  }
0x65: {  	_ =	shalt  }
0x66: {  	_ =	shalt  }
0x67: {  	_ =	shalt  }
0x68: {  	_ =	shalt  }
0x69: {  	_ =	shalt  }
0x6a: {  	_ =	shalt  }
0x6b: {  	_ =	shalt  }
0x6c: {  	_ =	shalt  }
0x6d: {  	_ =	shalt  }
0x6e: {  	_ =	shalt  }
0x6f: {  	_ =	shalt  }
0x70: {  	_ =	shalt  }
0x71: {  	_ =	shalt  }
0x72: {  	_ =	shalt  }
0x73: {  	_ =	shalt  }
0x74: {  	_ =	shalt  }
0x75: {  	_ =	shalt  }
0x76: {  	_ =	shalt  }
0x77: {  	_ =	shalt  }
0x78: {  	_ =	shalt  }
0x79: {  	_ =	shalt  }
0x7a: {  	_ =	shalt  }
0x7b: {  	_ =	shalt  }
0x7c: {  	_ =	shalt  }
0x7d: {  	_ =	shalt  }
0x7e: {  	_ =	shalt  }
0x7f: {  	_ =	shalt  }
0x80: {  	_ =	shalt  }
0x81: {  	_ =	shalt  }
0x82: {  	_ =	shalt  }
0x83: {  	_ =	shalt  }
0x84: {  	_ =	shalt  }
0x85: {  	_ =	shalt  }
0x86: {  	_ =	shalt  }
0x87: {  	_ =	shalt  }
.Lfunc_end0:
.L_simem_size_0:
called_computation_lowered:
.L_overlay_start_0:
0x88: {  	s2 =	sld [smem:$0x3FD9]  }
0x89: {  	s3 =	sld [smem:$0x3FFE];
	_ =	sdelay $0x1  }
0x8a: {  	s1 =	srdreg.scid  }
0x8b: {  	s0 =	sand.u32 $0x1, s1  }
0x8c: {  	s14 =	sshll.u32 s0, $0xA;
	s2 =	sadd.s32 s3, s2  }
0x8d: {  	s2 =	sadd.s32 s2, s14  }
0x8e: {  	[smem:$0x3FC0] =	sst s2  }
0x8f: {  	_ = 	snop  }
0x90: {  	s2 =	sld [smem:$0x3FD0];
	_ =	sdelay $0x2  }
0x91: {  	s15 =	simm.s32 $0xA;
	s4 =	simm.s32 $0x10  }
0x92: {  	[smem:s4], [sflag:s15] =	dma.local [hbm:s2], $0x1  }
0x93: {  	_ =	swait.eq [sflag:s15], $0x1  }
0x94: {  	[sflag:s15] =	ssyncset.done $0x0  }
0x95: {  	[sflag:s15] =	ssyncadd.s32 $0xFFFFFFFF  }
0x96: {  	s16 =	sld [smem:$0x11];
	(tm) =	ssettm $0x1  }
0x97: {  	s17 =	sld [smem:$0x3FFB];
	_ =	sdelay $0x3  }
0x98: {  	_ =	strace s17  }
0x99: {  	s3 =	sld [smem:$0x3FFC];
	_ =	sdelay $0x3  }
0x9a: {  	_ =	strace s3  }
0x9b: {  	s3 =	sld [smem:$0x3FFD];
	_ =	sdelay $0x3  }
0x9c: {  	_ =	strace s3  }
0x9d: {  	_ =	strace $0x8FFFFFFF  }
0x9e: {  	s18 =	sld [smem:$0x3FDB];
	_ =	sdelay $0x1  }
0x9f: {  	s19 =	simm.s32 $_scs_section_size  }
0xa0: {  	s5 =	simm.s32 $_size__tile_overlayer_lowered;
	s6 =	simm.s32 $_tile_overlayer_lowered  }
0xa1: {  	s22 =	simm.s32 $0x1BFF;
	s21 =	sshll.u32 s6, $0x1;
	s3 =	sadd.s32 s19, s18  }
0xa2: {  	s7 =	simm.s32 $0x0;
	s20 =	sshll.u32 s5, $0x1;
	s5 =	sadd.s32 s21, s3  }
0xa3: {  	[timem:s7], [sflag:s22] =	dma.local [hbm:s5], s20  }
0xa4: {  	_ =	swait.ge [sflag:s22], s20  }
0xa5: {  	s4 =	ssub.s32 $0x0, s20;
	[sflag:s22] =	ssyncset.done $0x0  }
0xa6: {  	[sflag:s22] =	ssyncadd.s32 s4;
	_ =	sdelay $0x1  }
0xa7: {  	s23 =	simm.s32 $0x1B8B  }
0xa8: {  	_ =	swait.ge [sflag:s23], $0x1  }
0xa9: {  	[sflag:s23] =	ssyncset.done $0x0  }
0xaa: {  	s25 =	simm.s32 $0x1B8E;
	s24 =	sld [smem:$0x3FFE];
	[sflag:s23] =	ssyncadd.s32 $0xFFFFFFFF  }
0xab: {  	s26 =	simm.s32 $execute0_lowered;
	[smem:$0x3FD2] =	sst s25  }
0xac: {  	s5 =	sshll.u32 s26, $0x1;
	_ =	strace $0x80000046;
	[dreg:$0x1] =	wrdreg $0xFFFFFFFF  }
0xad: {  	s28 =	simm.s32 $_size_execute0_lowered;
	s3 =	sadd.s32 s3, s5;
	[dreg:$0x0] =	wrdreg $0x0  }
0xae: {  	s5 =	sshll.u32 s28, $0x1;
	[dreg:$0x2] =	wrdreg s3  }
0xaf: {  	[dreg:$0x3] =	wrdreg s5  }
0xb0: {  	[dreg:$0x4] =	wrdreg $0xC0  }
0xb1: {  	_ =	task [dreg:s7], $0x5FFFF  }
0xb2: {  	[dreg:$0x1] =	wrdreg $0xFFFFFFFF  }
0xb3: {  	[dreg:$0x0] =	wrdreg $0x60  }
0xb4: {  	[dreg:$0x2] =	wrdreg s16  }
0xb5: {  	[dreg:$0x3] =	wrdreg s24  }
0xb6: {  	[dreg:$0x4] =	wrdreg $0x9  }
0xb7: {  	_ =	task.clear_ibuf [dreg:s7], $0x5FFFF;
	_ =	strace $0x90000046  }
0xb8: {  	s29 =	simm.s32 $0x9;
	_ =	strace $0x80000048  }
0xb9: {  	_ =	swait.ge [sflag:s29], $0x1  }
0xba: {  	[sflag:s29] =	ssyncadd.s32 $0xFFFFFFFF  }
0xbb: {  	_ =	strace $0x90000048  }
0xbc: {  	_ =	sfence  }
0xbd: {  	s30 =	sld [smem:$0x0];
	_ =	sdelay $0x2  }
0xbe: {  	s31 =	sshll.u32 s1, $0xD;
	s1 =	sshrl.u32 s1, $0x2  }
0xbf: {  	s3 =	sand.u32 $0x4000, s31;
	s1 =	sadd.s32 s1, s30  }
0xc0: {  	s0 =	sor.u32 s3, s0;
	s1 =	sshll.u32 s1, $0x11  }
0xc1: {  	s0 =	sor.u32 s1, s0  }
0xc2: {  	s0 =	sadd.s32 $0x8F2B, s0  }
0xc3: {  	[sflag:s0] =	ssyncadd.remote.s32 $0x1  }
0xc4: {  	_ =	sfence.sel $0xFFFF  }
0xc5: {  	[dreg:$0x0] =	wrdreg $0xFFFFFFFF;
	(pc) =	sbr.abs _section_cstart, $3  }
0xc6: {  	[dreg:$0x1] =	wrdreg $0xFFFFFFFF  }
0xc7: {  	_ =	task.clear_ibuf [dreg:s7], $0x2FFFF;
	_ =	strace $0x9FFFFFFF  }
0xc8: {  	(tm) =	ssettm $0x7FFFFFFF  }
0xc9: {  	_ =	shalt  }
tec
execute0_lowered:
.L_overlay_start_1:
0x0: {  	(tag) =	ssettag $0x1  }
0x1: {  	s4 =	rddreg [dreg:$0x0]  }
0x2: {  	s5 =	rddreg [dreg:$0x1]  }
0x3: {  	s1 =	stileid.u32;
	s2 =	srdreg.scid  }
0x4: {  	s0 =	rddreg [dreg:$0x2];
	s11 =	simm.s32 $0x0;
	s3 =	sand.u32 $0x1, s2  }
0x5: {  	s6 =	sshll.u32 s1, $0x1;
	s2 =	simm.s32 $0x0;
	s7 =	smul.u32 $0x10800, s1  }
0x6: {  	s6 =	sor.u32 s3, s6;
	[smem:$0x7FF] =	sst s2;
	s10 =	smul.u32 $0x8400, s3  }
0x7: {  	s8 =	ssub.s32 $0x2, s3;
	s3 =	sadd.s32 $0x102000, s5;
	s6 =	smul.u32 $0x420, s6  }
0x8: {  	_ =	strace $0x80000047;
	s9 =	sshrl.u32 s8, $0x1;
	s7 =	sadd.s32 s7, s5  }
0x9: {  	s30 =	ssub.s32 s8, s9;
	s31 =	sadd.s32 s10, s7;
	s7 =	simm.s32 $0x2  }
0xa: {  	s8 =	simm.s32 $0x80;
	s9 =	simm.s32 $0x2100;
	s10 =	simm.s32 $0x1  }
0xb: {  	s4 =	sadd.s32 s4, s6;
	s5 =	smax.u32 s30, $0x1;
	s6 =	sadd.s32 $0x142000, s31  }
.LBB2_1:
0xc: {  	[tilespmem:s2], [sflag:$0x2] =	stream.linear.gather [hbm4b:s4+s2], $0x2100, $0x38;
	[tilespmem:$0x3100] =	vst v63  }
0xd: {  	_ =	swait.ge [sflag:s7], $0x2100  }
0xe: {  	[sflag:s7] =	ssyncset.done $0x0  }
0xf: {  	s12 =	simm.s32 $0x0;
	[sflag:s7] =	ssyncadd.s32 $0xFFFFDF00  }
0x10: {  	[tilespmem:s9], [sflag:$0x1] =	stream.indirect.gather [hbm4b:s3+s8], $0x20, s12, s8, $0xb8;
	[tilespmem:$0x3100] =	vst v63  }
0x11: {  	_ =	swait.ge [sflag:s10], $0x1000  }
0x12: {  	[sflag:s10] =	ssyncset.done $0x0  }
0x13: {  	s31 =	sadd.s32 $0x0, s6;
	[sflag:s10] =	ssyncadd.s32 $0xFFFFF000  }
0x14: {  	[hbm4b:s31+s2] =	stream.linear.scatter [tilespmem:s9], [sflag:$0x2], $0x1000, $0x38;
	[tilespmem:$0x3100] =	vst v63  }
0x15: {  	_ =	swait.ge [sflag:s7], $0x1000  }
0x16: {  	s13 =	simm.s32 $0x400;
	s12 =	simm.s32 $0x200;
	[sflag:s7] =	ssyncset.done $0x0  }
.LBB2_2:
0x17: {  	s14 =	sshra.s32 s12, $0x2  }
0x18: {  	[sflag:s7] =	ssyncadd.s32 $0xFFFFF000;
	s15 =	smov.u32 s13;
	s16 =	sadd.s32 $0x200, s13  }
0x19: {  	[tilespmem:s9], [sflag:$0x1] =	stream.indirect.gather [hbm4b:s3+s8], $0x20, s14, s8, $0xb8;
	[tilespmem:$0x3100] =	vst v63  }
0x1a: {  	p0 =	sne.s32 s13, $0x8200;
	_ =	swait.ge [sflag:s10], $0x1000  }
.Ltmp0:
0x1b: {  	[sflag:s10] =	ssyncset.done $0x0;
	(pc) =	sbr.rel @p0 .LBB2_2-.Ltmp0, $4  }
0x1c: {  	s13 =	sadd.s32 s12, s6;
	s12 =	smov.u32 s15;
	[sflag:s10] =	ssyncadd.s32 $0xFFFFF000  }
0x1d: {  	[hbm4b:s13+s2] =	stream.linear.scatter [tilespmem:s9], [sflag:$0x2], $0x1000, $0x38;
	[tilespmem:$0x3100] =	vst v63  }
0x1e: {  	_ =	swait.ge [sflag:s7], $0x1000  }
0x1f: {  	s13 =	smov.u32 s16;
	[sflag:s7] =	ssyncset.done $0x0  }
0x20: {  	s13 =	sshra.s32 s12, $0x2;
	[sflag:s7] =	ssyncadd.s32 $0xFFFFF000  }
0x21: {  	[tilespmem:s9], [sflag:$0x1] =	stream.indirect.gather [hbm4b:s3+s8], $0x20, s13, s8, $0xb8;
	[tilespmem:$0x3100] =	vst v63  }
0x22: {  	s11 =	sadd.s32 $0x1, s11;
	_ =	swait.ge [sflag:s10], $0x1000  }
0x23: {  	p0 =	sne.s32 s11, s5;
	[sflag:s10] =	ssyncset.done $0x0  }
.Ltmp1:
0x24: {  	s31 =	sadd.s32 s12, s6;
	[sflag:s10] =	ssyncadd.s32 $0xFFFFF000;
	(pc) =	sbr.rel @p0 .LBB2_1-.Ltmp1, $4  }
0x25: {  	[hbm4b:s31+s2] =	stream.linear.scatter [tilespmem:s9], [sflag:$0x2], $0x1000, $0x38;
	[tilespmem:$0x3100] =	vst v63  }
0x26: {  	_ =	swait.ge [sflag:s7], $0x1000  }
0x27: {  	[sflag:s7] =	ssyncset.done $0x0  }
0x28: {  	[sflag:s7] =	ssyncadd.s32 $0xFFFFF000  }
0x29: {  	_ =	sfence.sel $0x180000  }
0x2a: {  	[bflag:$0x0] =	sbarrier.arrive $0xFFFF  }
0x2b: {  	p0 =	sne.s32 s1, $0x0;
	_ =	strace $0x90000047  }
0x2c: {  	s0 =	sadd.s32 @!p0 $0x100000, s0;
	[bflag:$0x2] =	sbarrier.arrive $0xFFFF  }
0x2d: {  	[sflag:s0] =	ssyncadd.tile.s32 @!p0 $0x1;
	_ =	shalt  }
.Lfunc_end2:
_tile_overlayer_lowered:
.L_overlay_start_2:
0x2e: {  	(tag) =	ssettag $0x2  }
0x2f: {  	s0 =	rddreg [dreg:$0x0];
	s2 =	stileid.u32  }
0x30: {  	s1 =	rddreg [dreg:$0x1];
	p0 =	sne.s32 s2, $0x0  }
0x31: {  	s3 =	rddreg [dreg:$0x2];
	[bflag:$0x3] =	sbarrier.arrive $0xFFFF;
	s2 =	simm.s32 @!p0 $0x1C02  }
0x32: {  	[timem:s3], [sflag:s2] =	dma.local @!p0 [hbm:s0], s1  }
0x33: {  	s0 =	simm.s32 @!p0 $0x2  }
0x34: {  	_ =	swait.ge @!p0 [sflag:s0], s1  }
0x35: {  	s1 =	ssub.s32 @!p0 $0x0, s1;
	[sflag:s0] =	ssyncset.done @!p0 $0x0  }
0x36: {  	[sflag:s0] =	ssyncadd.s32 @!p0 s1  }
0x37: {  	[bflag:$0x3] =	sbarrier.arrive $0xFFFF  }
0x38: {  	_ =	shalt  }

</sc_bundles>
